<compile_context>
chip_gen: v7x
topology: tpu7x:2x2x1
jax: 0.10.2.dev20260603
libtpu: 0.0.44.dev20260713+nightly
codegen_flags: <defaults>
</compile_context>

<pallas_src>
import functools

import jax
import jax.numpy as jnp
from jax import lax
from jax.experimental import pallas as pl
from jax.experimental.pallas import tpu as pltpu
from jax.experimental.pallas import tpu_sc as plsc

_CPAD = 16
_NWORKERS = 32
_NBUF = 8


def _project_body(emb_ref, w_ref, p_ref):
    ncls, d = w_ref.shape
    w_full = jnp.concatenate(
        [w_ref[...], jnp.zeros((_CPAD - ncls, d), jnp.float32)], axis=0)
    for q in range(8):
        prod = lax.dot_general(
            emb_ref[:, q, :], w_full,
            (((1,), (1,)), ((), ())),
            preferred_element_type=jnp.float32,
        )
        p_ref[:, q * _CPAD:(q + 1) * _CPAD] = prod


def _project(emb3, w):
    v8, _, d = emb3.shape
    ncls = w.shape[0]
    br = 1568
    return pl.pallas_call(
        _project_body,
        grid=(pl.cdiv(v8, br),),
        in_specs=[
            pl.BlockSpec((br, 8, d), lambda i: (i, 0, 0)),
            pl.BlockSpec((ncls, d), lambda i: (0, 0)),
        ],
        out_specs=pl.BlockSpec((br, 8 * _CPAD), lambda i: (i, 0)),
        out_shape=jax.ShapeDtypeStruct((v8, 8 * _CPAD), jnp.float32),
    )(emb3, w)


def _gather_sum(p, idx2, batch, s_dim):
    k_dim = batch // _NWORKERS
    rows_blk = k_dim * s_dim // 128
    mesh = plsc.VectorSubcoreMesh(core_axis_name="c", subcore_axis_name="s")

    @functools.partial(
        pl.kernel,
        out_type=jax.ShapeDtypeStruct((_NWORKERS, s_dim, _CPAD), jnp.float32),
        mesh=mesh,
        scratch_types=[
            pltpu.VMEM((rows_blk, 128), jnp.int32),
            pltpu.VMEM((s_dim, k_dim), jnp.int32),
            pltpu.VMEM((_NBUF, k_dim, _CPAD), jnp.float32),
            pltpu.VMEM((s_dim, _CPAD), jnp.float32),
            pltpu.SemaphoreType.DMA((_NBUF,)),
        ],
        compiler_params=pltpu.CompilerParams(
            use_tc_tiling_on_sc=False, needs_layout_passes=False),
    )
    def k(p_hbm, idx_hbm, out_hbm, raw_v, idx_v, rows_v, acc_v, gsems):
        cid = lax.axis_index("c")
        sid = lax.axis_index("s")
        w = cid * 16 + sid

        pltpu.sync_copy(idx_hbm.at[pl.ds(w * rows_blk, rows_blk)], raw_v)
        lanes_s = lax.iota(jnp.int32, 16) * s_dim

        def transpose_pos(s):
            def tbody(g, carry):
                f = jnp.full((16,), g * 16 * s_dim + s, jnp.int32) + lanes_s
                vals = plsc.load_gather(raw_v, [f >> 7, f & 127])
                idx_v[s, pl.ds(g * 16, 16)] = vals
                return carry

            lax.fori_loop(0, k_dim // 16, tbody, 0)

        for b in range(_NBUF):
            transpose_pos(b)
            pltpu.async_copy(p_hbm.at[idx_v.at[b]], rows_v.at[b], gsems.at[b])

        def outer(g, carry):
            for b in range(_NBUF):
                s = g * _NBUF + b
                nxt = s + _NBUF
                rows = rows_v.at[b]

                @pl.when(nxt < s_dim)
                def _():
                    transpose_pos(nxt)

                pltpu.make_async_copy(
                    p_hbm.at[idx_v.at[s]], rows, gsems.at[b]).wait()

                def red(i, accs):
                    a0, a1, a2, a3 = accs
                    i4 = i * 4
                    return (a0 + rows[i4], a1 + rows[i4 + 1],
                            a2 + rows[i4 + 2], a3 + rows[i4 + 3])

                z = jnp.zeros((_CPAD,), jnp.float32)
                a0, a1, a2, a3 = lax.fori_loop(0, k_dim // 4, red, (z, z, z, z))
                acc_v[s] = (a0 + a1) + (a2 + a3)

                @pl.when(nxt < s_dim)
                def _():
                    pltpu.async_copy(
                        p_hbm.at[idx_v.at[nxt]], rows, gsems.at[b])

            return carry

        lax.fori_loop(0, s_dim // _NBUF, outer, 0)
        pltpu.sync_copy(acc_v, out_hbm.at[w])

    return k(p, idx2)


def kernel(inputs, emb_table, W, b):
    batch, s_dim = inputs.shape
    ncls, d = W.shape

    vocab = emb_table.shape[0]
    emb3 = emb_table.reshape(vocab // 8, 8, d)
    p = _project(emb3, W).reshape(vocab, _CPAD)

    partials = _gather_sum(p, inputs.reshape(batch * s_dim // 128, 128),
                           batch, s_dim)
    return partials.sum(axis=0)[:, :ncls] * (1.0 / batch) + b[None, :]

# --- scband reference (transcript-rebuilt; emitter-appended) ---
"""Pipeline reference for scband-sentence-classifier-46050639347712 (READ-ONLY COPY).

The authoritative reference and input builder live on the scoring server;
editing this copy changes nothing except your own understanding.
"""

import jax, jax.numpy as jnp
import numpy as np

VOCAB = 100000
EMBED_DIM = 128
NUM_CLASSES = 2
BATCH = 4096
SEQ = 200

def setup_inputs(seed: int = 0) -> dict:
    key = jax.random.key(seed)
    k1, k2, k3, k4 = jax.random.split(key, 4)
    inputs = jax.random.randint(k1, (BATCH, SEQ), 0, VOCAB, dtype=jnp.int64 if jax.config.jax_enable_x64 else jnp.int32)
    emb_table = jax.random.normal(k2, (VOCAB, EMBED_DIM), dtype=jnp.float32) * 0.02
    W = jax.random.normal(k3, (NUM_CLASSES, EMBED_DIM), dtype=jnp.float32) * (1.0 / np.sqrt(EMBED_DIM))
    b = jax.random.normal(k4, (NUM_CLASSES,), dtype=jnp.float32) * 0.01
    return {"inputs": inputs, "emb_table": emb_table, "W": W, "b": b}

def reference(inputs, emb_table, W, b):
    # embeds = self.embedding(inputs)  -> gather rows from embedding table
    embeds = jnp.take(emb_table, inputs, axis=0)  # [B, S, D]
    # sentence_vector = embeds.mean(dim=0)  (mean over leading dim, faithful to torch)
    sentence_vector = jnp.mean(embeds, axis=0)  # [S, D]
    # output = self.classifier(sentence_vector)  -> Linear(D, num_classes)
    output = sentence_vector @ W.T + b  # [S, num_classes]
    return output

if __name__ == "__main__":
    import jax
    _d = setup_inputs()
    print(jax.jit(kernel)(*tuple(_d.values())))

</pallas_src>

<mosaic_0001>
#map = affine_map<(d0, d1) -> (0, 0)>
#map1 = affine_map<(d0, d1) -> (0, 0, 0)>
module attributes {stable_mosaic.version = 14 : i64} {
  func.func @k(%arg0: i32, %arg1: i32, %arg2: memref<100000x16xf32, #tpu.memory_space<hbm>>, %arg3: memref<6400x128xi32, #tpu.memory_space<hbm>>, %arg4: memref<32x200x16xf32, #tpu.memory_space<hbm>>, %arg5: memref<200x128xi32, #tpu.memory_space<vmem>>, %arg6: memref<200x128xi32, #tpu.memory_space<vmem>>, %arg7: memref<8x128x16xf32, #tpu.memory_space<vmem>>, %arg8: memref<200x16xf32, #tpu.memory_space<vmem>>, %arg9: memref<8x!tpu.dma_semaphore, #tpu.memory_space<semaphore_mem>>) attributes {dimension_semantics = [#tpu.dimension_semantics<core_parallel>, #tpu.dimension_semantics<subcore_parallel>], iteration_bounds = array<i64: 2, 16>, scalar_prefetch = 0 : i64, scratch_operands = 5 : i64, tpu.core_type = #tpu.core_type<sc_vector_subcore>, window_params = [{transform_indices = #map}, {transform_indices = #map}, {transform_indices = #map1}]} {
    %mul3A = arith.constant 16 : i32
    %mul3A_0 = arith.muli %arg0, %mul3A : i32
    %add3A = arith.addi %mul3A_0, %arg1 : i32
    %mul3A_1 = arith.constant 200 : i32
    %mul3A_2 = arith.muli %add3A, %mul3A_1 : i32
    "tpu.region"() ({
      %run_scoped3A = tpu.sem_alloc : memref<!tpu.dma_semaphore, #tpu.memory_space<semaphore_mem>>
      %dma_start3A_178 = arith.constant 0 : i32
      %dma_start3A_179 = tpu.memref_slice %arg3[%mul3A_2, %dma_start3A_178] : memref<6400x128xi32, #tpu.memory_space<hbm>> -> memref<200x128xi32, #tpu.memory_space<hbm>>
      %dma_start3A_180 = arith.constant 0 : i32
      %dma_start3A_181 = tpu.memref_slice %arg3[%mul3A_2, %dma_start3A_180] : memref<6400x128xi32, #tpu.memory_space<hbm>> -> memref<200x128xi32, #tpu.memory_space<hbm>>
      tpu.enqueue_dma source(%dma_start3A_181 : memref<200x128xi32, #tpu.memory_space<hbm>>) target(%arg5 : memref<200x128xi32, #tpu.memory_space<vmem>>) target_semaphore(%run_scoped3A : memref<!tpu.dma_semaphore, #tpu.memory_space<semaphore_mem>>)
      %dma_wait3A = arith.constant 0 : i32
      %dma_wait3A_182 = tpu.memref_slice %arg3[%mul3A_2, %dma_wait3A] : memref<6400x128xi32, #tpu.memory_space<hbm>> -> memref<200x128xi32, #tpu.memory_space<hbm>>
      %dma_wait3A_183 = arith.constant 0 : i32
      %dma_wait3A_184 = tpu.memref_slice %arg3[%mul3A_2, %dma_wait3A_183] : memref<6400x128xi32, #tpu.memory_space<hbm>> -> memref<200x128xi32, #tpu.memory_space<hbm>>
      tpu.wait_dma2 semaphore(%run_scoped3A : memref<!tpu.dma_semaphore, #tpu.memory_space<semaphore_mem>>) src(%dma_wait3A_184 : memref<200x128xi32, #tpu.memory_space<hbm>>) dst(%arg5 : memref<200x128xi32, #tpu.memory_space<vmem>>)
      tpu.yield
    }) : () -> ()
    %iota3A = tpu.iota {dimensions = array<i32: 0>} : vector<16xi32>
    %mul3A_3 = arith.constant 200 : i32
    %mul3A_4 = vector.broadcast %mul3A_3 : i32 to vector<16xi32>
    %mul3A_5 = arith.muli %iota3A, %mul3A_4 : vector<16xi32>
    %scan3A = arith.constant 0 : i32
    %scan3A_6 = arith.constant 0 : i32
    %scan3A_7 = arith.constant 8 : i32
    %scan3A_8 = arith.addi %scan3A_6, %scan3A_7 : i32
    %scan3A_9 = arith.constant 1 : i32
    scf.for %scan3A_178 = %scan3A_6 to %scan3A_8 step %scan3A_9  : i32 {
      %mul3A_179 = arith.constant 16 : i32
      %mul3A_180 = arith.muli %scan3A_178, %mul3A_179 : i32
      %mul3A_181 = arith.constant 200 : i32
      %mul3A_182 = arith.muli %mul3A_180, %mul3A_181 : i32
      %add3A_183 = arith.constant 0 : i32
      %add3A_184 = arith.addi %mul3A_182, %add3A_183 : i32
      %broadcast_in_dim3A = vector.broadcast %add3A_184 : i32 to vector<16xi32>
      %add3A_185 = arith.addi %broadcast_in_dim3A, %mul3A_5 : vector<16xi32>
      %shift_right_arithmetic3A = arith.constant 7 : i32
      %shift_right_arithmetic3A_186 = vector.broadcast %shift_right_arithmetic3A : i32 to vector<16xi32>
      %shift_right_arithmetic3A_187 = arith.shrsi %add3A_185, %shift_right_arithmetic3A_186 : vector<16xi32>
      %and3A = arith.constant 127 : i32
      %and3A_188 = vector.broadcast %and3A : i32 to vector<16xi32>
      %and3A_189 = arith.andi %add3A_185, %and3A_188 : vector<16xi32>
      %gather3A = tpu.vector_load_idx %arg5[%shift_right_arithmetic3A_187, %and3A_189] : memref<200x128xi32, #tpu.memory_space<vmem>>[vector<16xi32>, vector<16xi32>], vector<16xi32>,
      %mul3A_190 = arith.constant 16 : i32
      %mul3A_191 = arith.muli %scan3A_178, %mul3A_190 : i32
      %swap3A = arith.constant 0 : i32
      %swap3A_192 = arith.index_cast %swap3A : i32 to index
      %swap3A_193 = arith.index_cast %mul3A_191 : i32 to index
      %swap3A_194 = tpu.vector_load %arg6[%swap3A_192, %swap3A_193] {strides = array<i32>} : memref<200x128xi32, #tpu.memory_space<vmem>>, vector<16xi32>,
      tpu.vector_store %arg6[%swap3A_192, %swap3A_193], %gather3A {strides = array<i32>} : memref<200x128xi32, #tpu.memory_space<vmem>>, vector<16xi32>,
    }
    %scan3A_10 = arith.constant 8 : i32
    %dma_start3A = arith.constant 0 : i32
    %dma_start3A_11 = arith.constant 0 : i32
    %dma_start3A_12 = arith.constant 0 : i32
    %dma_start3A_13 = arith.constant 0 : i32
    %dma_start3A_14 = arith.constant 0 : i32
    %dma_start3A_15 = tpu.memref_slice %arg7[%dma_start3A_11, %dma_start3A_13, %dma_start3A_14] : memref<8x128x16xf32, #tpu.memory_space<vmem>> -> memref<1x128x16xf32, #tpu.memory_space<vmem>>
    %dma_start3A_16 = tpu.memref_squeeze %dma_start3A_15 : memref<1x128x16xf32, #tpu.memory_space<vmem>> -> memref<128x16xf32, #tpu.memory_space<vmem>>
    %dma_start3A_17 = arith.constant 0 : i32
    %dma_start3A_18 = tpu.memref_slice %arg6[%dma_start3A, %dma_start3A_17] : memref<200x128xi32, #tpu.memory_space<vmem>> -> memref<1x128xi32, #tpu.memory_space<vmem>>
    %dma_start3A_19 = tpu.memref_squeeze %dma_start3A_18 : memref<1x128xi32, #tpu.memory_space<vmem>> -> memref<128xi32, #tpu.memory_space<vmem>>
    %dma_start3A_20 = arith.constant 0 : i32
    %dma_start3A_21 = arith.constant 0 : i32
    %dma_start3A_22 = tpu.memref_slice %arg2[%dma_start3A_20, %dma_start3A_21] : memref<100000x16xf32, #tpu.memory_space<hbm>> -> memref<100000x16xf32, #tpu.memory_space<hbm>>
    %dma_start3A_23 = tpu.memref_slice %arg9[%dma_start3A_12] : memref<8x!tpu.dma_semaphore, #tpu.memory_space<semaphore_mem>> -> memref<1x!tpu.dma_semaphore, #tpu.memory_space<semaphore_mem>>
    %dma_start3A_24 = tpu.memref_squeeze %dma_start3A_23 : memref<1x!tpu.dma_semaphore, #tpu.memory_space<semaphore_mem>> -> memref<!tpu.dma_semaphore, #tpu.memory_space<semaphore_mem>>
    tpu.enqueue_indirect_dma source(%dma_start3A_22 : memref<100000x16xf32, #tpu.memory_space<hbm>>) target(%dma_start3A_16 : memref<128x16xf32, #tpu.memory_space<vmem>>) offsets(%dma_start3A_19 : memref<128xi32, #tpu.memory_space<vmem>>) semaphore(%dma_start3A_24 : memref<!tpu.dma_semaphore, #tpu.memory_space<semaphore_mem>>)
    %scan3A_25 = arith.constant 0 : i32
    %scan3A_26 = arith.constant 0 : i32
    %scan3A_27 = arith.constant 8 : i32
    %scan3A_28 = arith.addi %scan3A_26, %scan3A_27 : i32
    %scan3A_29 = arith.constant 1 : i32
    scf.for %scan3A_178 = %scan3A_26 to %scan3A_28 step %scan3A_29  : i32 {
      %mul3A_179 = arith.constant 16 : i32
      %mul3A_180 = arith.muli %scan3A_178, %mul3A_179 : i32
      %mul3A_181 = arith.constant 200 : i32
      %mul3A_182 = arith.muli %mul3A_180, %mul3A_181 : i32
      %add3A_183 = arith.constant 1 : i32
      %add3A_184 = arith.addi %mul3A_182, %add3A_183 : i32
      %broadcast_in_dim3A = vector.broadcast %add3A_184 : i32 to vector<16xi32>
      %add3A_185 = arith.addi %broadcast_in_dim3A, %mul3A_5 : vector<16xi32>
      %shift_right_arithmetic3A = arith.constant 7 : i32
      %shift_right_arithmetic3A_186 = vector.broadcast %shift_right_arithmetic3A : i32 to vector<16xi32>
      %shift_right_arithmetic3A_187 = arith.shrsi %add3A_185, %shift_right_arithmetic3A_186 : vector<16xi32>
      %and3A = arith.constant 127 : i32
      %and3A_188 = vector.broadcast %and3A : i32 to vector<16xi32>
      %and3A_189 = arith.andi %add3A_185, %and3A_188 : vector<16xi32>
      %gather3A = tpu.vector_load_idx %arg5[%shift_right_arithmetic3A_187, %and3A_189] : memref<200x128xi32, #tpu.memory_space<vmem>>[vector<16xi32>, vector<16xi32>], vector<16xi32>,
      %mul3A_190 = arith.constant 16 : i32
      %mul3A_191 = arith.muli %scan3A_178, %mul3A_190 : i32
      %swap3A = arith.constant 1 : i32
      %swap3A_192 = arith.index_cast %swap3A : i32 to index
      %swap3A_193 = arith.index_cast %mul3A_191 : i32 to index
      %swap3A_194 = tpu.vector_load %arg6[%swap3A_192, %swap3A_193] {strides = array<i32>} : memref<200x128xi32, #tpu.memory_space<vmem>>, vector<16xi32>,
      tpu.vector_store %arg6[%swap3A_192, %swap3A_193], %gather3A {strides = array<i32>} : memref<200x128xi32, #tpu.memory_space<vmem>>, vector<16xi32>,
    }
    %scan3A_30 = arith.constant 8 : i32
    %dma_start3A_31 = arith.constant 1 : i32
    %dma_start3A_32 = arith.constant 1 : i32
    %dma_start3A_33 = arith.constant 1 : i32
    %dma_start3A_34 = arith.constant 0 : i32
    %dma_start3A_35 = arith.constant 0 : i32
    %dma_start3A_36 = tpu.memref_slice %arg7[%dma_start3A_32, %dma_start3A_34, %dma_start3A_35] : memref<8x128x16xf32, #tpu.memory_space<vmem>> -> memref<1x128x16xf32, #tpu.memory_space<vmem>>
    %dma_start3A_37 = tpu.memref_squeeze %dma_start3A_36 : memref<1x128x16xf32, #tpu.memory_space<vmem>> -> memref<128x16xf32, #tpu.memory_space<vmem>>
    %dma_start3A_38 = arith.constant 0 : i32
    %dma_start3A_39 = tpu.memref_slice %arg6[%dma_start3A_31, %dma_start3A_38] : memref<200x128xi32, #tpu.memory_space<vmem>> -> memref<1x128xi32, #tpu.memory_space<vmem>>
    %dma_start3A_40 = tpu.memref_squeeze %dma_start3A_39 : memref<1x128xi32, #tpu.memory_space<vmem>> -> memref<128xi32, #tpu.memory_space<vmem>>
    %dma_start3A_41 = arith.constant 0 : i32
    %dma_start3A_42 = arith.constant 0 : i32
    %dma_start3A_43 = tpu.memref_slice %arg2[%dma_start3A_41, %dma_start3A_42] : memref<100000x16xf32, #tpu.memory_space<hbm>> -> memref<100000x16xf32, #tpu.memory_space<hbm>>
    %dma_start3A_44 = tpu.memref_slice %arg9[%dma_start3A_33] : memref<8x!tpu.dma_semaphore, #tpu.memory_space<semaphore_mem>> -> memref<1x!tpu.dma_semaphore, #tpu.memory_space<semaphore_mem>>
    %dma_start3A_45 = tpu.memref_squeeze %dma_start3A_44 : memref<1x!tpu.dma_semaphore, #tpu.memory_space<semaphore_mem>> -> memref<!tpu.dma_semaphore, #tpu.memory_space<semaphore_mem>>
    tpu.enqueue_indirect_dma source(%dma_start3A_43 : memref<100000x16xf32, #tpu.memory_space<hbm>>) target(%dma_start3A_37 : memref<128x16xf32, #tpu.memory_space<vmem>>) offsets(%dma_start3A_40 : memref<128xi32, #tpu.memory_space<vmem>>) semaphore(%dma_start3A_45 : memref<!tpu.dma_semaphore, #tpu.memory_space<semaphore_mem>>)
    %scan3A_46 = arith.constant 0 : i32
    %scan3A_47 = arith.constant 0 : i32
    %scan3A_48 = arith.constant 8 : i32
    %scan3A_49 = arith.addi %scan3A_47, %scan3A_48 : i32
    %scan3A_50 = arith.constant 1 : i32
    scf.for %scan3A_178 = %scan3A_47 to %scan3A_49 step %scan3A_50  : i32 {
      %mul3A_179 = arith.constant 16 : i32
      %mul3A_180 = arith.muli %scan3A_178, %mul3A_179 : i32
      %mul3A_181 = arith.constant 200 : i32
      %mul3A_182 = arith.muli %mul3A_180, %mul3A_181 : i32
      %add3A_183 = arith.constant 2 : i32
      %add3A_184 = arith.addi %mul3A_182, %add3A_183 : i32
      %broadcast_in_dim3A = vector.broadcast %add3A_184 : i32 to vector<16xi32>
      %add3A_185 = arith.addi %broadcast_in_dim3A, %mul3A_5 : vector<16xi32>
      %shift_right_arithmetic3A = arith.constant 7 : i32
      %shift_right_arithmetic3A_186 = vector.broadcast %shift_right_arithmetic3A : i32 to vector<16xi32>
      %shift_right_arithmetic3A_187 = arith.shrsi %add3A_185, %shift_right_arithmetic3A_186 : vector<16xi32>
      %and3A = arith.constant 127 : i32
      %and3A_188 = vector.broadcast %and3A : i32 to vector<16xi32>
      %and3A_189 = arith.andi %add3A_185, %and3A_188 : vector<16xi32>
      %gather3A = tpu.vector_load_idx %arg5[%shift_right_arithmetic3A_187, %and3A_189] : memref<200x128xi32, #tpu.memory_space<vmem>>[vector<16xi32>, vector<16xi32>], vector<16xi32>,
      %mul3A_190 = arith.constant 16 : i32
      %mul3A_191 = arith.muli %scan3A_178, %mul3A_190 : i32
      %swap3A = arith.constant 2 : i32
      %swap3A_192 = arith.index_cast %swap3A : i32 to index
      %swap3A_193 = arith.index_cast %mul3A_191 : i32 to index
      %swap3A_194 = tpu.vector_load %arg6[%swap3A_192, %swap3A_193] {strides = array<i32>} : memref<200x128xi32, #tpu.memory_space<vmem>>, vector<16xi32>,
      tpu.vector_store %arg6[%swap3A_192, %swap3A_193], %gather3A {strides = array<i32>} : memref<200x128xi32, #tpu.memory_space<vmem>>, vector<16xi32>,
    }
    %scan3A_51 = arith.constant 8 : i32
    %dma_start3A_52 = arith.constant 2 : i32
    %dma_start3A_53 = arith.constant 2 : i32
    %dma_start3A_54 = arith.constant 2 : i32
    %dma_start3A_55 = arith.constant 0 : i32
    %dma_start3A_56 = arith.constant 0 : i32
    %dma_start3A_57 = tpu.memref_slice %arg7[%dma_start3A_53, %dma_start3A_55, %dma_start3A_56] : memref<8x128x16xf32, #tpu.memory_space<vmem>> -> memref<1x128x16xf32, #tpu.memory_space<vmem>>
    %dma_start3A_58 = tpu.memref_squeeze %dma_start3A_57 : memref<1x128x16xf32, #tpu.memory_space<vmem>> -> memref<128x16xf32, #tpu.memory_space<vmem>>
    %dma_start3A_59 = arith.constant 0 : i32
    %dma_start3A_60 = tpu.memref_slice %arg6[%dma_start3A_52, %dma_start3A_59] : memref<200x128xi32, #tpu.memory_space<vmem>> -> memref<1x128xi32, #tpu.memory_space<vmem>>
    %dma_start3A_61 = tpu.memref_squeeze %dma_start3A_60 : memref<1x128xi32, #tpu.memory_space<vmem>> -> memref<128xi32, #tpu.memory_space<vmem>>
    %dma_start3A_62 = arith.constant 0 : i32
    %dma_start3A_63 = arith.constant 0 : i32
    %dma_start3A_64 = tpu.memref_slice %arg2[%dma_start3A_62, %dma_start3A_63] : memref<100000x16xf32, #tpu.memory_space<hbm>> -> memref<100000x16xf32, #tpu.memory_space<hbm>>
    %dma_start3A_65 = tpu.memref_slice %arg9[%dma_start3A_54] : memref<8x!tpu.dma_semaphore, #tpu.memory_space<semaphore_mem>> -> memref<1x!tpu.dma_semaphore, #tpu.memory_space<semaphore_mem>>
    %dma_start3A_66 = tpu.memref_squeeze %dma_start3A_65 : memref<1x!tpu.dma_semaphore, #tpu.memory_space<semaphore_mem>> -> memref<!tpu.dma_semaphore, #tpu.memory_space<semaphore_mem>>
    tpu.enqueue_indirect_dma source(%dma_start3A_64 : memref<100000x16xf32, #tpu.memory_space<hbm>>) target(%dma_start3A_58 : memref<128x16xf32, #tpu.memory_space<vmem>>) offsets(%dma_start3A_61 : memref<128xi32, #tpu.memory_space<vmem>>) semaphore(%dma_start3A_66 : memref<!tpu.dma_semaphore, #tpu.memory_space<semaphore_mem>>)
    %scan3A_67 = arith.constant 0 : i32
    %scan3A_68 = arith.constant 0 : i32
    %scan3A_69 = arith.constant 8 : i32
    %scan3A_70 = arith.addi %scan3A_68, %scan3A_69 : i32
    %scan3A_71 = arith.constant 1 : i32
    scf.for %scan3A_178 = %scan3A_68 to %scan3A_70 step %scan3A_71  : i32 {
      %mul3A_179 = arith.constant 16 : i32
      %mul3A_180 = arith.muli %scan3A_178, %mul3A_179 : i32
      %mul3A_181 = arith.constant 200 : i32
      %mul3A_182 = arith.muli %mul3A_180, %mul3A_181 : i32
      %add3A_183 = arith.constant 3 : i32
      %add3A_184 = arith.addi %mul3A_182, %add3A_183 : i32
      %broadcast_in_dim3A = vector.broadcast %add3A_184 : i32 to vector<16xi32>
      %add3A_185 = arith.addi %broadcast_in_dim3A, %mul3A_5 : vector<16xi32>
      %shift_right_arithmetic3A = arith.constant 7 : i32
      %shift_right_arithmetic3A_186 = vector.broadcast %shift_right_arithmetic3A : i32 to vector<16xi32>
      %shift_right_arithmetic3A_187 = arith.shrsi %add3A_185, %shift_right_arithmetic3A_186 : vector<16xi32>
      %and3A = arith.constant 127 : i32
      %and3A_188 = vector.broadcast %and3A : i32 to vector<16xi32>
      %and3A_189 = arith.andi %add3A_185, %and3A_188 : vector<16xi32>
      %gather3A = tpu.vector_load_idx %arg5[%shift_right_arithmetic3A_187, %and3A_189] : memref<200x128xi32, #tpu.memory_space<vmem>>[vector<16xi32>, vector<16xi32>], vector<16xi32>,
      %mul3A_190 = arith.constant 16 : i32
      %mul3A_191 = arith.muli %scan3A_178, %mul3A_190 : i32
      %swap3A = arith.constant 3 : i32
      %swap3A_192 = arith.index_cast %swap3A : i32 to index
      %swap3A_193 = arith.index_cast %mul3A_191 : i32 to index
      %swap3A_194 = tpu.vector_load %arg6[%swap3A_192, %swap3A_193] {strides = array<i32>} : memref<200x128xi32, #tpu.memory_space<vmem>>, vector<16xi32>,
      tpu.vector_store %arg6[%swap3A_192, %swap3A_193], %gather3A {strides = array<i32>} : memref<200x128xi32, #tpu.memory_space<vmem>>, vector<16xi32>,
    }
    %scan3A_72 = arith.constant 8 : i32
    %dma_start3A_73 = arith.constant 3 : i32
    %dma_start3A_74 = arith.constant 3 : i32
    %dma_start3A_75 = arith.constant 3 : i32
    %dma_start3A_76 = arith.constant 0 : i32
    %dma_start3A_77 = arith.constant 0 : i32
    %dma_start3A_78 = tpu.memref_slice %arg7[%dma_start3A_74, %dma_start3A_76, %dma_start3A_77] : memref<8x128x16xf32, #tpu.memory_space<vmem>> -> memref<1x128x16xf32, #tpu.memory_space<vmem>>
    %dma_start3A_79 = tpu.memref_squeeze %dma_start3A_78 : memref<1x128x16xf32, #tpu.memory_space<vmem>> -> memref<128x16xf32, #tpu.memory_space<vmem>>
    %dma_start3A_80 = arith.constant 0 : i32
    %dma_start3A_81 = tpu.memref_slice %arg6[%dma_start3A_73, %dma_start3A_80] : memref<200x128xi32, #tpu.memory_space<vmem>> -> memref<1x128xi32, #tpu.memory_space<vmem>>
    %dma_start3A_82 = tpu.memref_squeeze %dma_start3A_81 : memref<1x128xi32, #tpu.memory_space<vmem>> -> memref<128xi32, #tpu.memory_space<vmem>>
    %dma_start3A_83 = arith.constant 0 : i32
    %dma_start3A_84 = arith.constant 0 : i32
    %dma_start3A_85 = tpu.memref_slice %arg2[%dma_start3A_83, %dma_start3A_84] : memref<100000x16xf32, #tpu.memory_space<hbm>> -> memref<100000x16xf32, #tpu.memory_space<hbm>>
    %dma_start3A_86 = tpu.memref_slice %arg9[%dma_start3A_75] : memref<8x!tpu.dma_semaphore, #tpu.memory_space<semaphore_mem>> -> memref<1x!tpu.dma_semaphore, #tpu.memory_space<semaphore_mem>>
    %dma_start3A_87 = tpu.memref_squeeze %dma_start3A_86 : memref<1x!tpu.dma_semaphore, #tpu.memory_space<semaphore_mem>> -> memref<!tpu.dma_semaphore, #tpu.memory_space<semaphore_mem>>
    tpu.enqueue_indirect_dma source(%dma_start3A_85 : memref<100000x16xf32, #tpu.memory_space<hbm>>) target(%dma_start3A_79 : memref<128x16xf32, #tpu.memory_space<vmem>>) offsets(%dma_start3A_82 : memref<128xi32, #tpu.memory_space<vmem>>) semaphore(%dma_start3A_87 : memref<!tpu.dma_semaphore, #tpu.memory_space<semaphore_mem>>)
    %scan3A_88 = arith.constant 0 : i32
    %scan3A_89 = arith.constant 0 : i32
    %scan3A_90 = arith.constant 8 : i32
    %scan3A_91 = arith.addi %scan3A_89, %scan3A_90 : i32
    %scan3A_92 = arith.constant 1 : i32
    scf.for %scan3A_178 = %scan3A_89 to %scan3A_91 step %scan3A_92  : i32 {
      %mul3A_179 = arith.constant 16 : i32
      %mul3A_180 = arith.muli %scan3A_178, %mul3A_179 : i32
      %mul3A_181 = arith.constant 200 : i32
      %mul3A_182 = arith.muli %mul3A_180, %mul3A_181 : i32
      %add3A_183 = arith.constant 4 : i32
      %add3A_184 = arith.addi %mul3A_182, %add3A_183 : i32
      %broadcast_in_dim3A = vector.broadcast %add3A_184 : i32 to vector<16xi32>
      %add3A_185 = arith.addi %broadcast_in_dim3A, %mul3A_5 : vector<16xi32>
      %shift_right_arithmetic3A = arith.constant 7 : i32
      %shift_right_arithmetic3A_186 = vector.broadcast %shift_right_arithmetic3A : i32 to vector<16xi32>
      %shift_right_arithmetic3A_187 = arith.shrsi %add3A_185, %shift_right_arithmetic3A_186 : vector<16xi32>
      %and3A = arith.constant 127 : i32
      %and3A_188 = vector.broadcast %and3A : i32 to vector<16xi32>
      %and3A_189 = arith.andi %add3A_185, %and3A_188 : vector<16xi32>
      %gather3A = tpu.vector_load_idx %arg5[%shift_right_arithmetic3A_187, %and3A_189] : memref<200x128xi32, #tpu.memory_space<vmem>>[vector<16xi32>, vector<16xi32>], vector<16xi32>,
      %mul3A_190 = arith.constant 16 : i32
      %mul3A_191 = arith.muli %scan3A_178, %mul3A_190 : i32
      %swap3A = arith.constant 4 : i32
      %swap3A_192 = arith.index_cast %swap3A : i32 to index
      %swap3A_193 = arith.index_cast %mul3A_191 : i32 to index
      %swap3A_194 = tpu.vector_load %arg6[%swap3A_192, %swap3A_193] {strides = array<i32>} : memref<200x128xi32, #tpu.memory_space<vmem>>, vector<16xi32>,
      tpu.vector_store %arg6[%swap3A_192, %swap3A_193], %gather3A {strides = array<i32>} : memref<200x128xi32, #tpu.memory_space<vmem>>, vector<16xi32>,
    }
    %scan3A_93 = arith.constant 8 : i32
    %dma_start3A_94 = arith.constant 4 : i32
    %dma_start3A_95 = arith.constant 4 : i32
    %dma_start3A_96 = arith.constant 4 : i32
    %dma_start3A_97 = arith.constant 0 : i32
    %dma_start3A_98 = arith.constant 0 : i32
    %dma_start3A_99 = tpu.memref_slice %arg7[%dma_start3A_95, %dma_start3A_97, %dma_start3A_98] : memref<8x128x16xf32, #tpu.memory_space<vmem>> -> memref<1x128x16xf32, #tpu.memory_space<vmem>>
    %dma_start3A_100 = tpu.memref_squeeze %dma_start3A_99 : memref<1x128x16xf32, #tpu.memory_space<vmem>> -> memref<128x16xf32, #tpu.memory_space<vmem>>
    %dma_start3A_101 = arith.constant 0 : i32
    %dma_start3A_102 = tpu.memref_slice %arg6[%dma_start3A_94, %dma_start3A_101] : memref<200x128xi32, #tpu.memory_space<vmem>> -> memref<1x128xi32, #tpu.memory_space<vmem>>
    %dma_start3A_103 = tpu.memref_squeeze %dma_start3A_102 : memref<1x128xi32, #tpu.memory_space<vmem>> -> memref<128xi32, #tpu.memory_space<vmem>>
    %dma_start3A_104 = arith.constant 0 : i32
    %dma_start3A_105 = arith.constant 0 : i32
    %dma_start3A_106 = tpu.memref_slice %arg2[%dma_start3A_104, %dma_start3A_105] : memref<100000x16xf32, #tpu.memory_space<hbm>> -> memref<100000x16xf32, #tpu.memory_space<hbm>>
    %dma_start3A_107 = tpu.memref_slice %arg9[%dma_start3A_96] : memref<8x!tpu.dma_semaphore, #tpu.memory_space<semaphore_mem>> -> memref<1x!tpu.dma_semaphore, #tpu.memory_space<semaphore_mem>>
    %dma_start3A_108 = tpu.memref_squeeze %dma_start3A_107 : memref<1x!tpu.dma_semaphore, #tpu.memory_space<semaphore_mem>> -> memref<!tpu.dma_semaphore, #tpu.memory_space<semaphore_mem>>
    tpu.enqueue_indirect_dma source(%dma_start3A_106 : memref<100000x16xf32, #tpu.memory_space<hbm>>) target(%dma_start3A_100 : memref<128x16xf32, #tpu.memory_space<vmem>>) offsets(%dma_start3A_103 : memref<128xi32, #tpu.memory_space<vmem>>) semaphore(%dma_start3A_108 : memref<!tpu.dma_semaphore, #tpu.memory_space<semaphore_mem>>)
    %scan3A_109 = arith.constant 0 : i32
    %scan3A_110 = arith.constant 0 : i32
    %scan3A_111 = arith.constant 8 : i32
    %scan3A_112 = arith.addi %scan3A_110, %scan3A_111 : i32
    %scan3A_113 = arith.constant 1 : i32
    scf.for %scan3A_178 = %scan3A_110 to %scan3A_112 step %scan3A_113  : i32 {
      %mul3A_179 = arith.constant 16 : i32
      %mul3A_180 = arith.muli %scan3A_178, %mul3A_179 : i32
      %mul3A_181 = arith.constant 200 : i32
      %mul3A_182 = arith.muli %mul3A_180, %mul3A_181 : i32
      %add3A_183 = arith.constant 5 : i32
      %add3A_184 = arith.addi %mul3A_182, %add3A_183 : i32
      %broadcast_in_dim3A = vector.broadcast %add3A_184 : i32 to vector<16xi32>
      %add3A_185 = arith.addi %broadcast_in_dim3A, %mul3A_5 : vector<16xi32>
      %shift_right_arithmetic3A = arith.constant 7 : i32
      %shift_right_arithmetic3A_186 = vector.broadcast %shift_right_arithmetic3A : i32 to vector<16xi32>
      %shift_right_arithmetic3A_187 = arith.shrsi %add3A_185, %shift_right_arithmetic3A_186 : vector<16xi32>
      %and3A = arith.constant 127 : i32
      %and3A_188 = vector.broadcast %and3A : i32 to vector<16xi32>
      %and3A_189 = arith.andi %add3A_185, %and3A_188 : vector<16xi32>
      %gather3A = tpu.vector_load_idx %arg5[%shift_right_arithmetic3A_187, %and3A_189] : memref<200x128xi32, #tpu.memory_space<vmem>>[vector<16xi32>, vector<16xi32>], vector<16xi32>,
      %mul3A_190 = arith.constant 16 : i32
      %mul3A_191 = arith.muli %scan3A_178, %mul3A_190 : i32
      %swap3A = arith.constant 5 : i32
      %swap3A_192 = arith.index_cast %swap3A : i32 to index
      %swap3A_193 = arith.index_cast %mul3A_191 : i32 to index
      %swap3A_194 = tpu.vector_load %arg6[%swap3A_192, %swap3A_193] {strides = array<i32>} : memref<200x128xi32, #tpu.memory_space<vmem>>, vector<16xi32>,
      tpu.vector_store %arg6[%swap3A_192, %swap3A_193], %gather3A {strides = array<i32>} : memref<200x128xi32, #tpu.memory_space<vmem>>, vector<16xi32>,
    }
    %scan3A_114 = arith.constant 8 : i32
    %dma_start3A_115 = arith.constant 5 : i32
    %dma_start3A_116 = arith.constant 5 : i32
    %dma_start3A_117 = arith.constant 5 : i32
    %dma_start3A_118 = arith.constant 0 : i32
    %dma_start3A_119 = arith.constant 0 : i32
    %dma_start3A_120 = tpu.memref_slice %arg7[%dma_start3A_116, %dma_start3A_118, %dma_start3A_119] : memref<8x128x16xf32, #tpu.memory_space<vmem>> -> memref<1x128x16xf32, #tpu.memory_space<vmem>>
    %dma_start3A_121 = tpu.memref_squeeze %dma_start3A_120 : memref<1x128x16xf32, #tpu.memory_space<vmem>> -> memref<128x16xf32, #tpu.memory_space<vmem>>
    %dma_start3A_122 = arith.constant 0 : i32
    %dma_start3A_123 = tpu.memref_slice %arg6[%dma_start3A_115, %dma_start3A_122] : memref<200x128xi32, #tpu.memory_space<vmem>> -> memref<1x128xi32, #tpu.memory_space<vmem>>
    %dma_start3A_124 = tpu.memref_squeeze %dma_start3A_123 : memref<1x128xi32, #tpu.memory_space<vmem>> -> memref<128xi32, #tpu.memory_space<vmem>>
    %dma_start3A_125 = arith.constant 0 : i32
    %dma_start3A_126 = arith.constant 0 : i32
    %dma_start3A_127 = tpu.memref_slice %arg2[%dma_start3A_125, %dma_start3A_126] : memref<100000x16xf32, #tpu.memory_space<hbm>> -> memref<100000x16xf32, #tpu.memory_space<hbm>>
    %dma_start3A_128 = tpu.memref_slice %arg9[%dma_start3A_117] : memref<8x!tpu.dma_semaphore, #tpu.memory_space<semaphore_mem>> -> memref<1x!tpu.dma_semaphore, #tpu.memory_space<semaphore_mem>>
    %dma_start3A_129 = tpu.memref_squeeze %dma_start3A_128 : memref<1x!tpu.dma_semaphore, #tpu.memory_space<semaphore_mem>> -> memref<!tpu.dma_semaphore, #tpu.memory_space<semaphore_mem>>
    tpu.enqueue_indirect_dma source(%dma_start3A_127 : memref<100000x16xf32, #tpu.memory_space<hbm>>) target(%dma_start3A_121 : memref<128x16xf32, #tpu.memory_space<vmem>>) offsets(%dma_start3A_124 : memref<128xi32, #tpu.memory_space<vmem>>) semaphore(%dma_start3A_129 : memref<!tpu.dma_semaphore, #tpu.memory_space<semaphore_mem>>)
    %scan3A_130 = arith.constant 0 : i32
    %scan3A_131 = arith.constant 0 : i32
    %scan3A_132 = arith.constant 8 : i32
    %scan3A_133 = arith.addi %scan3A_131, %scan3A_132 : i32
    %scan3A_134 = arith.constant 1 : i32
    scf.for %scan3A_178 = %scan3A_131 to %scan3A_133 step %scan3A_134  : i32 {
      %mul3A_179 = arith.constant 16 : i32
      %mul3A_180 = arith.muli %scan3A_178, %mul3A_179 : i32
      %mul3A_181 = arith.constant 200 : i32
      %mul3A_182 = arith.muli %mul3A_180, %mul3A_181 : i32
      %add3A_183 = arith.constant 6 : i32
      %add3A_184 = arith.addi %mul3A_182, %add3A_183 : i32
      %broadcast_in_dim3A = vector.broadcast %add3A_184 : i32 to vector<16xi32>
      %add3A_185 = arith.addi %broadcast_in_dim3A, %mul3A_5 : vector<16xi32>
      %shift_right_arithmetic3A = arith.constant 7 : i32
      %shift_right_arithmetic3A_186 = vector.broadcast %shift_right_arithmetic3A : i32 to vector<16xi32>
      %shift_right_arithmetic3A_187 = arith.shrsi %add3A_185, %shift_right_arithmetic3A_186 : vector<16xi32>
      %and3A = arith.constant 127 : i32
      %and3A_188 = vector.broadcast %and3A : i32 to vector<16xi32>
      %and3A_189 = arith.andi %add3A_185, %and3A_188 : vector<16xi32>
      %gather3A = tpu.vector_load_idx %arg5[%shift_right_arithmetic3A_187, %and3A_189] : memref<200x128xi32, #tpu.memory_space<vmem>>[vector<16xi32>, vector<16xi32>], vector<16xi32>,
      %mul3A_190 = arith.constant 16 : i32
      %mul3A_191 = arith.muli %scan3A_178, %mul3A_190 : i32
      %swap3A = arith.constant 6 : i32
      %swap3A_192 = arith.index_cast %swap3A : i32 to index
      %swap3A_193 = arith.index_cast %mul3A_191 : i32 to index
      %swap3A_194 = tpu.vector_load %arg6[%swap3A_192, %swap3A_193] {strides = array<i32>} : memref<200x128xi32, #tpu.memory_space<vmem>>, vector<16xi32>,
      tpu.vector_store %arg6[%swap3A_192, %swap3A_193], %gather3A {strides = array<i32>} : memref<200x128xi32, #tpu.memory_space<vmem>>, vector<16xi32>,
    }
    %scan3A_135 = arith.constant 8 : i32
    %dma_start3A_136 = arith.constant 6 : i32
    %dma_start3A_137 = arith.constant 6 : i32
    %dma_start3A_138 = arith.constant 6 : i32
    %dma_start3A_139 = arith.constant 0 : i32
    %dma_start3A_140 = arith.constant 0 : i32
    %dma_start3A_141 = tpu.memref_slice %arg7[%dma_start3A_137, %dma_start3A_139, %dma_start3A_140] : memref<8x128x16xf32, #tpu.memory_space<vmem>> -> memref<1x128x16xf32, #tpu.memory_space<vmem>>
    %dma_start3A_142 = tpu.memref_squeeze %dma_start3A_141 : memref<1x128x16xf32, #tpu.memory_space<vmem>> -> memref<128x16xf32, #tpu.memory_space<vmem>>
    %dma_start3A_143 = arith.constant 0 : i32
    %dma_start3A_144 = tpu.memref_slice %arg6[%dma_start3A_136, %dma_start3A_143] : memref<200x128xi32, #tpu.memory_space<vmem>> -> memref<1x128xi32, #tpu.memory_space<vmem>>
    %dma_start3A_145 = tpu.memref_squeeze %dma_start3A_144 : memref<1x128xi32, #tpu.memory_space<vmem>> -> memref<128xi32, #tpu.memory_space<vmem>>
    %dma_start3A_146 = arith.constant 0 : i32
    %dma_start3A_147 = arith.constant 0 : i32
    %dma_start3A_148 = tpu.memref_slice %arg2[%dma_start3A_146, %dma_start3A_147] : memref<100000x16xf32, #tpu.memory_space<hbm>> -> memref<100000x16xf32, #tpu.memory_space<hbm>>
    %dma_start3A_149 = tpu.memref_slice %arg9[%dma_start3A_138] : memref<8x!tpu.dma_semaphore, #tpu.memory_space<semaphore_mem>> -> memref<1x!tpu.dma_semaphore, #tpu.memory_space<semaphore_mem>>
    %dma_start3A_150 = tpu.memref_squeeze %dma_start3A_149 : memref<1x!tpu.dma_semaphore, #tpu.memory_space<semaphore_mem>> -> memref<!tpu.dma_semaphore, #tpu.memory_space<semaphore_mem>>
    tpu.enqueue_indirect_dma source(%dma_start3A_148 : memref<100000x16xf32, #tpu.memory_space<hbm>>) target(%dma_start3A_142 : memref<128x16xf32, #tpu.memory_space<vmem>>) offsets(%dma_start3A_145 : memref<128xi32, #tpu.memory_space<vmem>>) semaphore(%dma_start3A_150 : memref<!tpu.dma_semaphore, #tpu.memory_space<semaphore_mem>>)
    %scan3A_151 = arith.constant 0 : i32
    %scan3A_152 = arith.constant 0 : i32
    %scan3A_153 = arith.constant 8 : i32
    %scan3A_154 = arith.addi %scan3A_152, %scan3A_153 : i32
    %scan3A_155 = arith.constant 1 : i32
    scf.for %scan3A_178 = %scan3A_152 to %scan3A_154 step %scan3A_155  : i32 {
      %mul3A_179 = arith.constant 16 : i32
      %mul3A_180 = arith.muli %scan3A_178, %mul3A_179 : i32
      %mul3A_181 = arith.constant 200 : i32
      %mul3A_182 = arith.muli %mul3A_180, %mul3A_181 : i32
      %add3A_183 = arith.constant 7 : i32
      %add3A_184 = arith.addi %mul3A_182, %add3A_183 : i32
      %broadcast_in_dim3A = vector.broadcast %add3A_184 : i32 to vector<16xi32>
      %add3A_185 = arith.addi %broadcast_in_dim3A, %mul3A_5 : vector<16xi32>
      %shift_right_arithmetic3A = arith.constant 7 : i32
      %shift_right_arithmetic3A_186 = vector.broadcast %shift_right_arithmetic3A : i32 to vector<16xi32>
      %shift_right_arithmetic3A_187 = arith.shrsi %add3A_185, %shift_right_arithmetic3A_186 : vector<16xi32>
      %and3A = arith.constant 127 : i32
      %and3A_188 = vector.broadcast %and3A : i32 to vector<16xi32>
      %and3A_189 = arith.andi %add3A_185, %and3A_188 : vector<16xi32>
      %gather3A = tpu.vector_load_idx %arg5[%shift_right_arithmetic3A_187, %and3A_189] : memref<200x128xi32, #tpu.memory_space<vmem>>[vector<16xi32>, vector<16xi32>], vector<16xi32>,
      %mul3A_190 = arith.constant 16 : i32
      %mul3A_191 = arith.muli %scan3A_178, %mul3A_190 : i32
      %swap3A = arith.constant 7 : i32
      %swap3A_192 = arith.index_cast %swap3A : i32 to index
      %swap3A_193 = arith.index_cast %mul3A_191 : i32 to index
      %swap3A_194 = tpu.vector_load %arg6[%swap3A_192, %swap3A_193] {strides = array<i32>} : memref<200x128xi32, #tpu.memory_space<vmem>>, vector<16xi32>,
      tpu.vector_store %arg6[%swap3A_192, %swap3A_193], %gather3A {strides = array<i32>} : memref<200x128xi32, #tpu.memory_space<vmem>>, vector<16xi32>,
    }
    %scan3A_156 = arith.constant 8 : i32
    %dma_start3A_157 = arith.constant 7 : i32
    %dma_start3A_158 = arith.constant 7 : i32
    %dma_start3A_159 = arith.constant 7 : i32
    %dma_start3A_160 = arith.constant 0 : i32
    %dma_start3A_161 = arith.constant 0 : i32
    %dma_start3A_162 = tpu.memref_slice %arg7[%dma_start3A_158, %dma_start3A_160, %dma_start3A_161] : memref<8x128x16xf32, #tpu.memory_space<vmem>> -> memref<1x128x16xf32, #tpu.memory_space<vmem>>
    %dma_start3A_163 = tpu.memref_squeeze %dma_start3A_162 : memref<1x128x16xf32, #tpu.memory_space<vmem>> -> memref<128x16xf32, #tpu.memory_space<vmem>>
    %dma_start3A_164 = arith.constant 0 : i32
    %dma_start3A_165 = tpu.memref_slice %arg6[%dma_start3A_157, %dma_start3A_164] : memref<200x128xi32, #tpu.memory_space<vmem>> -> memref<1x128xi32, #tpu.memory_space<vmem>>
    %dma_start3A_166 = tpu.memref_squeeze %dma_start3A_165 : memref<1x128xi32, #tpu.memory_space<vmem>> -> memref<128xi32, #tpu.memory_space<vmem>>
    %dma_start3A_167 = arith.constant 0 : i32
    %dma_start3A_168 = arith.constant 0 : i32
    %dma_start3A_169 = tpu.memref_slice %arg2[%dma_start3A_167, %dma_start3A_168] : memref<100000x16xf32, #tpu.memory_space<hbm>> -> memref<100000x16xf32, #tpu.memory_space<hbm>>
    %dma_start3A_170 = tpu.memref_slice %arg9[%dma_start3A_159] : memref<8x!tpu.dma_semaphore, #tpu.memory_space<semaphore_mem>> -> memref<1x!tpu.dma_semaphore, #tpu.memory_space<semaphore_mem>>
    %dma_start3A_171 = tpu.memref_squeeze %dma_start3A_170 : memref<1x!tpu.dma_semaphore, #tpu.memory_space<semaphore_mem>> -> memref<!tpu.dma_semaphore, #tpu.memory_space<semaphore_mem>>
    tpu.enqueue_indirect_dma source(%dma_start3A_169 : memref<100000x16xf32, #tpu.memory_space<hbm>>) target(%dma_start3A_163 : memref<128x16xf32, #tpu.memory_space<vmem>>) offsets(%dma_start3A_166 : memref<128xi32, #tpu.memory_space<vmem>>) semaphore(%dma_start3A_171 : memref<!tpu.dma_semaphore, #tpu.memory_space<semaphore_mem>>)
    %scan3A_172 = arith.constant 0 : i32
    %scan3A_173 = arith.constant 0 : i32
    %scan3A_174 = arith.constant 25 : i32
    %scan3A_175 = arith.addi %scan3A_173, %scan3A_174 : i32
    %scan3A_176 = arith.constant 1 : i32
    scf.for %scan3A_178 = %scan3A_173 to %scan3A_175 step %scan3A_176  : i32 {
      %mul3A_179 = arith.constant 8 : i32
      %mul3A_180 = arith.muli %scan3A_178, %mul3A_179 : i32
      %add3A_181 = arith.constant 0 : i32
      %add3A_182 = arith.addi %mul3A_180, %add3A_181 : i32
      %add3A_183 = arith.constant 8 : i32
      %add3A_184 = arith.addi %add3A_182, %add3A_183 : i32
      %lt3A = arith.constant 200 : i32
      %lt3A_185 = arith.cmpi slt, %add3A_184, %lt3A : i32
      %convert_element_type3A = arith.extui %lt3A_185 : i1 to i32
      %cond3A = arith.constant 0 : i32
      %cond3A_186 = arith.cmpi ne, %convert_element_type3A, %cond3A : i32
      scf.if %cond3A_186 {
        %scan3A_541 = arith.constant 0 : i32
        %scan3A_542 = arith.constant 0 : i32
        %scan3A_543 = arith.constant 8 : i32
        %scan3A_544 = arith.addi %scan3A_542, %scan3A_543 : i32
        %scan3A_545 = arith.constant 1 : i32
        scf.for %scan3A_547 = %scan3A_542 to %scan3A_544 step %scan3A_545  : i32 {
          %mul3A_548 = arith.constant 16 : i32
          %mul3A_549 = arith.muli %scan3A_547, %mul3A_548 : i32
          %mul3A_550 = arith.constant 200 : i32
          %mul3A_551 = arith.muli %mul3A_549, %mul3A_550 : i32
          %add3A_552 = arith.addi %mul3A_551, %add3A_184 : i32
          %broadcast_in_dim3A_553 = vector.broadcast %add3A_552 : i32 to vector<16xi32>
          %add3A_554 = arith.addi %broadcast_in_dim3A_553, %mul3A_5 : vector<16xi32>
          %shift_right_arithmetic3A = arith.constant 7 : i32
          %shift_right_arithmetic3A_555 = vector.broadcast %shift_right_arithmetic3A : i32 to vector<16xi32>
          %shift_right_arithmetic3A_556 = arith.shrsi %add3A_554, %shift_right_arithmetic3A_555 : vector<16xi32>
          %and3A = arith.constant 127 : i32
          %and3A_557 = vector.broadcast %and3A : i32 to vector<16xi32>
          %and3A_558 = arith.andi %add3A_554, %and3A_557 : vector<16xi32>
          %gather3A = tpu.vector_load_idx %arg5[%shift_right_arithmetic3A_556, %and3A_558] : memref<200x128xi32, #tpu.memory_space<vmem>>[vector<16xi32>, vector<16xi32>], vector<16xi32>,
          %mul3A_559 = arith.constant 16 : i32
          %mul3A_560 = arith.muli %scan3A_547, %mul3A_559 : i32
          %swap3A_561 = arith.index_cast %add3A_184 : i32 to index
          %swap3A_562 = arith.index_cast %mul3A_560 : i32 to index
          %swap3A_563 = tpu.vector_load %arg6[%swap3A_561, %swap3A_562] {strides = array<i32>} : memref<200x128xi32, #tpu.memory_space<vmem>>, vector<16xi32>,
          tpu.vector_store %arg6[%swap3A_561, %swap3A_562], %gather3A {strides = array<i32>} : memref<200x128xi32, #tpu.memory_space<vmem>>, vector<16xi32>,
        }
        %scan3A_546 = arith.constant 8 : i32
      } else {
      }
      %dma_wait3A = arith.constant 0 : i32
      %dma_wait3A_187 = arith.constant 0 : i32
      %dma_wait3A_188 = arith.constant 0 : i32
      %dma_wait3A_189 = arith.constant 0 : i32
      %dma_wait3A_190 = tpu.memref_slice %arg7[%dma_wait3A, %dma_wait3A_188, %dma_wait3A_189] : memref<8x128x16xf32, #tpu.memory_space<vmem>> -> memref<1x128x16xf32, #tpu.memory_space<vmem>>
      %dma_wait3A_191 = tpu.memref_squeeze %dma_wait3A_190 : memref<1x128x16xf32, #tpu.memory_space<vmem>> -> memref<128x16xf32, #tpu.memory_space<vmem>>
      %dma_wait3A_192 = arith.constant 0 : i32
      %dma_wait3A_193 = tpu.memref_slice %arg6[%add3A_182, %dma_wait3A_192] : memref<200x128xi32, #tpu.memory_space<vmem>> -> memref<1x128xi32, #tpu.memory_space<vmem>>
      %dma_wait3A_194 = tpu.memref_squeeze %dma_wait3A_193 : memref<1x128xi32, #tpu.memory_space<vmem>> -> memref<128xi32, #tpu.memory_space<vmem>>
      %dma_wait3A_195 = arith.constant 0 : i32
      %dma_wait3A_196 = arith.constant 0 : i32
      %dma_wait3A_197 = tpu.memref_slice %arg2[%dma_wait3A_195, %dma_wait3A_196] : memref<100000x16xf32, #tpu.memory_space<hbm>> -> memref<100000x16xf32, #tpu.memory_space<hbm>>
      %dma_wait3A_198 = tpu.memref_slice %arg9[%dma_wait3A_187] : memref<8x!tpu.dma_semaphore, #tpu.memory_space<semaphore_mem>> -> memref<1x!tpu.dma_semaphore, #tpu.memory_space<semaphore_mem>>
      %dma_wait3A_199 = tpu.memref_squeeze %dma_wait3A_198 : memref<1x!tpu.dma_semaphore, #tpu.memory_space<semaphore_mem>> -> memref<!tpu.dma_semaphore, #tpu.memory_space<semaphore_mem>>
      tpu.wait_indirect_dma semaphore(%dma_wait3A_199 : memref<!tpu.dma_semaphore, #tpu.memory_space<semaphore_mem>>) src(%dma_wait3A_197 : memref<100000x16xf32, #tpu.memory_space<hbm>>) dst(%dma_wait3A_191 : memref<128x16xf32, #tpu.memory_space<vmem>>)
      %broadcast_in_dim3A = arith.constant 0.000000e+00 : f32
      %broadcast_in_dim3A_200 = vector.broadcast %broadcast_in_dim3A : f32 to vector<16xf32>
      %scan3A_201 = arith.constant 0 : i32
      %scan3A_202 = arith.constant 0 : i32
      %scan3A_203 = arith.constant 32 : i32
      %scan3A_204 = arith.addi %scan3A_202, %scan3A_203 : i32
      %scan3A_205 = arith.constant 1 : i32
      %scan3A_206:4 = scf.for %scan3A_541 = %scan3A_202 to %scan3A_204 step %scan3A_205 iter_args(%scan3A_542 = %broadcast_in_dim3A_200, %scan3A_543 = %broadcast_in_dim3A_200, %scan3A_544 = %broadcast_in_dim3A_200, %scan3A_545 = %broadcast_in_dim3A_200) -> (vector<16xf32>, vector<16xf32>, vector<16xf32>, vector<16xf32>)  : i32 {
        %mul3A_546 = arith.constant 4 : i32
        %mul3A_547 = arith.muli %scan3A_541, %mul3A_546 : i32
        %get3A = arith.constant 0 : i32
        %get3A_548 = arith.constant 0 : i32
        %get3A_549 = tpu.memref_slice %arg7[%scan3A_201, %get3A, %get3A_548] : memref<8x128x16xf32, #tpu.memory_space<vmem>> -> memref<1x128x16xf32, #tpu.memory_space<vmem>>
        %get3A_550 = tpu.memref_squeeze %get3A_549 : memref<1x128x16xf32, #tpu.memory_space<vmem>> -> memref<128x16xf32, #tpu.memory_space<vmem>>
        %get3A_551 = arith.index_cast %mul3A_547 : i32 to index
        %get3A_552 = arith.constant 0 : index
        %get3A_553 = tpu.vector_load %get3A_550[%get3A_551, %get3A_552] {strides = array<i32>} : memref<128x16xf32, #tpu.memory_space<vmem>>, vector<16xf32>,
        %add3A_554 = arith.addf %scan3A_542, %get3A_553 : vector<16xf32>
        %add3A_555 = arith.constant 1 : i32
        %add3A_556 = arith.addi %mul3A_547, %add3A_555 : i32
        %get3A_557 = arith.constant 0 : i32
        %get3A_558 = arith.constant 0 : i32
        %get3A_559 = tpu.memref_slice %arg7[%scan3A_201, %get3A_557, %get3A_558] : memref<8x128x16xf32, #tpu.memory_space<vmem>> -> memref<1x128x16xf32, #tpu.memory_space<vmem>>
        %get3A_560 = tpu.memref_squeeze %get3A_559 : memref<1x128x16xf32, #tpu.memory_space<vmem>> -> memref<128x16xf32, #tpu.memory_space<vmem>>
        %get3A_561 = arith.index_cast %add3A_556 : i32 to index
        %get3A_562 = arith.constant 0 : index
        %get3A_563 = tpu.vector_load %get3A_560[%get3A_561, %get3A_562] {strides = array<i32>} : memref<128x16xf32, #tpu.memory_space<vmem>>, vector<16xf32>,
        %add3A_564 = arith.addf %scan3A_543, %get3A_563 : vector<16xf32>
        %add3A_565 = arith.constant 2 : i32
        %add3A_566 = arith.addi %mul3A_547, %add3A_565 : i32
        %get3A_567 = arith.constant 0 : i32
        %get3A_568 = arith.constant 0 : i32
        %get3A_569 = tpu.memref_slice %arg7[%scan3A_201, %get3A_567, %get3A_568] : memref<8x128x16xf32, #tpu.memory_space<vmem>> -> memref<1x128x16xf32, #tpu.memory_space<vmem>>
        %get3A_570 = tpu.memref_squeeze %get3A_569 : memref<1x128x16xf32, #tpu.memory_space<vmem>> -> memref<128x16xf32, #tpu.memory_space<vmem>>
        %get3A_571 = arith.index_cast %add3A_566 : i32 to index
        %get3A_572 = arith.constant 0 : index
        %get3A_573 = tpu.vector_load %get3A_570[%get3A_571, %get3A_572] {strides = array<i32>} : memref<128x16xf32, #tpu.memory_space<vmem>>, vector<16xf32>,
        %add3A_574 = arith.addf %scan3A_544, %get3A_573 : vector<16xf32>
        %add3A_575 = arith.constant 3 : i32
        %add3A_576 = arith.addi %mul3A_547, %add3A_575 : i32
        %get3A_577 = arith.constant 0 : i32
        %get3A_578 = arith.constant 0 : i32
        %get3A_579 = tpu.memref_slice %arg7[%scan3A_201, %get3A_577, %get3A_578] : memref<8x128x16xf32, #tpu.memory_space<vmem>> -> memref<1x128x16xf32, #tpu.memory_space<vmem>>
        %get3A_580 = tpu.memref_squeeze %get3A_579 : memref<1x128x16xf32, #tpu.memory_space<vmem>> -> memref<128x16xf32, #tpu.memory_space<vmem>>
        %get3A_581 = arith.index_cast %add3A_576 : i32 to index
        %get3A_582 = arith.constant 0 : index
        %get3A_583 = tpu.vector_load %get3A_580[%get3A_581, %get3A_582] {strides = array<i32>} : memref<128x16xf32, #tpu.memory_space<vmem>>, vector<16xf32>,
        %add3A_584 = arith.addf %scan3A_545, %get3A_583 : vector<16xf32>
        scf.yield %add3A_554, %add3A_564, %add3A_574, %add3A_584 : vector<16xf32>, vector<16xf32>, vector<16xf32>, vector<16xf32>
      }
      %scan3A_207 = arith.constant 32 : i32
      %add3A_208 = arith.addf %scan3A_206#0, %scan3A_206#1 : vector<16xf32>
      %add3A_209 = arith.addf %scan3A_206#2, %scan3A_206#3 : vector<16xf32>
      %add3A_210 = arith.addf %add3A_208, %add3A_209 : vector<16xf32>
      %swap3A = arith.index_cast %add3A_182 : i32 to index
      %swap3A_211 = arith.constant 0 : index
      %swap3A_212 = tpu.vector_load %arg8[%swap3A, %swap3A_211] {strides = array<i32>} : memref<200x16xf32, #tpu.memory_space<vmem>>, vector<16xf32>,
      tpu.vector_store %arg8[%swap3A, %swap3A_211], %add3A_210 {strides = array<i32>} : memref<200x16xf32, #tpu.memory_space<vmem>>, vector<16xf32>,
      %lt3A_213 = arith.constant 200 : i32
      %lt3A_214 = arith.cmpi slt, %add3A_184, %lt3A_213 : i32
      %convert_element_type3A_215 = arith.extui %lt3A_214 : i1 to i32
      %cond3A_216 = arith.constant 0 : i32
      %cond3A_217 = arith.constant 0 : i32
      %cond3A_218 = arith.cmpi ne, %convert_element_type3A_215, %cond3A_217 : i32
      scf.if %cond3A_218 {
        %dma_start3A_541 = arith.constant 0 : i32
        %dma_start3A_542 = arith.constant 0 : i32
        %dma_start3A_543 = arith.constant 0 : i32
        %dma_start3A_544 = tpu.memref_slice %arg7[%cond3A_216, %dma_start3A_542, %dma_start3A_543] : memref<8x128x16xf32, #tpu.memory_space<vmem>> -> memref<1x128x16xf32, #tpu.memory_space<vmem>>
        %dma_start3A_545 = tpu.memref_squeeze %dma_start3A_544 : memref<1x128x16xf32, #tpu.memory_space<vmem>> -> memref<128x16xf32, #tpu.memory_space<vmem>>
        %dma_start3A_546 = arith.constant 0 : i32
        %dma_start3A_547 = tpu.memref_slice %arg6[%add3A_184, %dma_start3A_546] : memref<200x128xi32, #tpu.memory_space<vmem>> -> memref<1x128xi32, #tpu.memory_space<vmem>>
        %dma_start3A_548 = tpu.memref_squeeze %dma_start3A_547 : memref<1x128xi32, #tpu.memory_space<vmem>> -> memref<128xi32, #tpu.memory_space<vmem>>
        %dma_start3A_549 = arith.constant 0 : i32
        %dma_start3A_550 = arith.constant 0 : i32
        %dma_start3A_551 = tpu.memref_slice %arg2[%dma_start3A_549, %dma_start3A_550] : memref<100000x16xf32, #tpu.memory_space<hbm>> -> memref<100000x16xf32, #tpu.memory_space<hbm>>
        %dma_start3A_552 = tpu.memref_slice %arg9[%dma_start3A_541] : memref<8x!tpu.dma_semaphore, #tpu.memory_space<semaphore_mem>> -> memref<1x!tpu.dma_semaphore, #tpu.memory_space<semaphore_mem>>
        %dma_start3A_553 = tpu.memref_squeeze %dma_start3A_552 : memref<1x!tpu.dma_semaphore, #tpu.memory_space<semaphore_mem>> -> memref<!tpu.dma_semaphore, #tpu.memory_space<semaphore_mem>>
        tpu.enqueue_indirect_dma source(%dma_start3A_551 : memref<100000x16xf32, #tpu.memory_space<hbm>>) target(%dma_start3A_545 : memref<128x16xf32, #tpu.memory_space<vmem>>) offsets(%dma_start3A_548 : memref<128xi32, #tpu.memory_space<vmem>>) semaphore(%dma_start3A_553 : memref<!tpu.dma_semaphore, #tpu.memory_space<semaphore_mem>>)
      } else {
      }
      %mul3A_219 = arith.constant 8 : i32
      %mul3A_220 = arith.muli %scan3A_178, %mul3A_219 : i32
      %add3A_221 = arith.constant 1 : i32
      %add3A_222 = arith.addi %mul3A_220, %add3A_221 : i32
      %add3A_223 = arith.constant 8 : i32
      %add3A_224 = arith.addi %add3A_222, %add3A_223 : i32
      %lt3A_225 = arith.constant 200 : i32
      %lt3A_226 = arith.cmpi slt, %add3A_224, %lt3A_225 : i32
      %convert_element_type3A_227 = arith.extui %lt3A_226 : i1 to i32
      %cond3A_228 = arith.constant 0 : i32
      %cond3A_229 = arith.cmpi ne, %convert_element_type3A_227, %cond3A_228 : i32
      scf.if %cond3A_229 {
        %scan3A_541 = arith.constant 0 : i32
        %scan3A_542 = arith.constant 0 : i32
        %scan3A_543 = arith.constant 8 : i32
        %scan3A_544 = arith.addi %scan3A_542, %scan3A_543 : i32
        %scan3A_545 = arith.constant 1 : i32
        scf.for %scan3A_547 = %scan3A_542 to %scan3A_544 step %scan3A_545  : i32 {
          %mul3A_548 = arith.constant 16 : i32
          %mul3A_549 = arith.muli %scan3A_547, %mul3A_548 : i32
          %mul3A_550 = arith.constant 200 : i32
          %mul3A_551 = arith.muli %mul3A_549, %mul3A_550 : i32
          %add3A_552 = arith.addi %mul3A_551, %add3A_224 : i32
          %broadcast_in_dim3A_553 = vector.broadcast %add3A_552 : i32 to vector<16xi32>
          %add3A_554 = arith.addi %broadcast_in_dim3A_553, %mul3A_5 : vector<16xi32>
          %shift_right_arithmetic3A = arith.constant 7 : i32
          %shift_right_arithmetic3A_555 = vector.broadcast %shift_right_arithmetic3A : i32 to vector<16xi32>
          %shift_right_arithmetic3A_556 = arith.shrsi %add3A_554, %shift_right_arithmetic3A_555 : vector<16xi32>
          %and3A = arith.constant 127 : i32
          %and3A_557 = vector.broadcast %and3A : i32 to vector<16xi32>
          %and3A_558 = arith.andi %add3A_554, %and3A_557 : vector<16xi32>
          %gather3A = tpu.vector_load_idx %arg5[%shift_right_arithmetic3A_556, %and3A_558] : memref<200x128xi32, #tpu.memory_space<vmem>>[vector<16xi32>, vector<16xi32>], vector<16xi32>,
          %mul3A_559 = arith.constant 16 : i32
          %mul3A_560 = arith.muli %scan3A_547, %mul3A_559 : i32
          %swap3A_561 = arith.index_cast %add3A_224 : i32 to index
          %swap3A_562 = arith.index_cast %mul3A_560 : i32 to index
          %swap3A_563 = tpu.vector_load %arg6[%swap3A_561, %swap3A_562] {strides = array<i32>} : memref<200x128xi32, #tpu.memory_space<vmem>>, vector<16xi32>,
          tpu.vector_store %arg6[%swap3A_561, %swap3A_562], %gather3A {strides = array<i32>} : memref<200x128xi32, #tpu.memory_space<vmem>>, vector<16xi32>,
        }
        %scan3A_546 = arith.constant 8 : i32
      } else {
      }
      %dma_wait3A_230 = arith.constant 1 : i32
      %dma_wait3A_231 = arith.constant 1 : i32
      %dma_wait3A_232 = arith.constant 0 : i32
      %dma_wait3A_233 = arith.constant 0 : i32
      %dma_wait3A_234 = tpu.memref_slice %arg7[%dma_wait3A_230, %dma_wait3A_232, %dma_wait3A_233] : memref<8x128x16xf32, #tpu.memory_space<vmem>> -> memref<1x128x16xf32, #tpu.memory_space<vmem>>
      %dma_wait3A_235 = tpu.memref_squeeze %dma_wait3A_234 : memref<1x128x16xf32, #tpu.memory_space<vmem>> -> memref<128x16xf32, #tpu.memory_space<vmem>>
      %dma_wait3A_236 = arith.constant 0 : i32
      %dma_wait3A_237 = tpu.memref_slice %arg6[%add3A_222, %dma_wait3A_236] : memref<200x128xi32, #tpu.memory_space<vmem>> -> memref<1x128xi32, #tpu.memory_space<vmem>>
      %dma_wait3A_238 = tpu.memref_squeeze %dma_wait3A_237 : memref<1x128xi32, #tpu.memory_space<vmem>> -> memref<128xi32, #tpu.memory_space<vmem>>
      %dma_wait3A_239 = arith.constant 0 : i32
      %dma_wait3A_240 = arith.constant 0 : i32
      %dma_wait3A_241 = tpu.memref_slice %arg2[%dma_wait3A_239, %dma_wait3A_240] : memref<100000x16xf32, #tpu.memory_space<hbm>> -> memref<100000x16xf32, #tpu.memory_space<hbm>>
      %dma_wait3A_242 = tpu.memref_slice %arg9[%dma_wait3A_231] : memref<8x!tpu.dma_semaphore, #tpu.memory_space<semaphore_mem>> -> memref<1x!tpu.dma_semaphore, #tpu.memory_space<semaphore_mem>>
      %dma_wait3A_243 = tpu.memref_squeeze %dma_wait3A_242 : memref<1x!tpu.dma_semaphore, #tpu.memory_space<semaphore_mem>> -> memref<!tpu.dma_semaphore, #tpu.memory_space<semaphore_mem>>
      tpu.wait_indirect_dma semaphore(%dma_wait3A_243 : memref<!tpu.dma_semaphore, #tpu.memory_space<semaphore_mem>>) src(%dma_wait3A_241 : memref<100000x16xf32, #tpu.memory_space<hbm>>) dst(%dma_wait3A_235 : memref<128x16xf32, #tpu.memory_space<vmem>>)
      %broadcast_in_dim3A_244 = arith.constant 0.000000e+00 : f32
      %broadcast_in_dim3A_245 = vector.broadcast %broadcast_in_dim3A_244 : f32 to vector<16xf32>
      %scan3A_246 = arith.constant 1 : i32
      %scan3A_247 = arith.constant 0 : i32
      %scan3A_248 = arith.constant 32 : i32
      %scan3A_249 = arith.addi %scan3A_247, %scan3A_248 : i32
      %scan3A_250 = arith.constant 1 : i32
      %scan3A_251:4 = scf.for %scan3A_541 = %scan3A_247 to %scan3A_249 step %scan3A_250 iter_args(%scan3A_542 = %broadcast_in_dim3A_245, %scan3A_543 = %broadcast_in_dim3A_245, %scan3A_544 = %broadcast_in_dim3A_245, %scan3A_545 = %broadcast_in_dim3A_245) -> (vector<16xf32>, vector<16xf32>, vector<16xf32>, vector<16xf32>)  : i32 {
        %mul3A_546 = arith.constant 4 : i32
        %mul3A_547 = arith.muli %scan3A_541, %mul3A_546 : i32
        %get3A = arith.constant 0 : i32
        %get3A_548 = arith.constant 0 : i32
        %get3A_549 = tpu.memref_slice %arg7[%scan3A_246, %get3A, %get3A_548] : memref<8x128x16xf32, #tpu.memory_space<vmem>> -> memref<1x128x16xf32, #tpu.memory_space<vmem>>
        %get3A_550 = tpu.memref_squeeze %get3A_549 : memref<1x128x16xf32, #tpu.memory_space<vmem>> -> memref<128x16xf32, #tpu.memory_space<vmem>>
        %get3A_551 = arith.index_cast %mul3A_547 : i32 to index
        %get3A_552 = arith.constant 0 : index
        %get3A_553 = tpu.vector_load %get3A_550[%get3A_551, %get3A_552] {strides = array<i32>} : memref<128x16xf32, #tpu.memory_space<vmem>>, vector<16xf32>,
        %add3A_554 = arith.addf %scan3A_542, %get3A_553 : vector<16xf32>
        %add3A_555 = arith.constant 1 : i32
        %add3A_556 = arith.addi %mul3A_547, %add3A_555 : i32
        %get3A_557 = arith.constant 0 : i32
        %get3A_558 = arith.constant 0 : i32
        %get3A_559 = tpu.memref_slice %arg7[%scan3A_246, %get3A_557, %get3A_558] : memref<8x128x16xf32, #tpu.memory_space<vmem>> -> memref<1x128x16xf32, #tpu.memory_space<vmem>>
        %get3A_560 = tpu.memref_squeeze %get3A_559 : memref<1x128x16xf32, #tpu.memory_space<vmem>> -> memref<128x16xf32, #tpu.memory_space<vmem>>
        %get3A_561 = arith.index_cast %add3A_556 : i32 to index
        %get3A_562 = arith.constant 0 : index
        %get3A_563 = tpu.vector_load %get3A_560[%get3A_561, %get3A_562] {strides = array<i32>} : memref<128x16xf32, #tpu.memory_space<vmem>>, vector<16xf32>,
        %add3A_564 = arith.addf %scan3A_543, %get3A_563 : vector<16xf32>
        %add3A_565 = arith.constant 2 : i32
        %add3A_566 = arith.addi %mul3A_547, %add3A_565 : i32
        %get3A_567 = arith.constant 0 : i32
        %get3A_568 = arith.constant 0 : i32
        %get3A_569 = tpu.memref_slice %arg7[%scan3A_246, %get3A_567, %get3A_568] : memref<8x128x16xf32, #tpu.memory_space<vmem>> -> memref<1x128x16xf32, #tpu.memory_space<vmem>>
        %get3A_570 = tpu.memref_squeeze %get3A_569 : memref<1x128x16xf32, #tpu.memory_space<vmem>> -> memref<128x16xf32, #tpu.memory_space<vmem>>
        %get3A_571 = arith.index_cast %add3A_566 : i32 to index
        %get3A_572 = arith.constant 0 : index
        %get3A_573 = tpu.vector_load %get3A_570[%get3A_571, %get3A_572] {strides = array<i32>} : memref<128x16xf32, #tpu.memory_space<vmem>>, vector<16xf32>,
        %add3A_574 = arith.addf %scan3A_544, %get3A_573 : vector<16xf32>
        %add3A_575 = arith.constant 3 : i32
        %add3A_576 = arith.addi %mul3A_547, %add3A_575 : i32
        %get3A_577 = arith.constant 0 : i32
        %get3A_578 = arith.constant 0 : i32
        %get3A_579 = tpu.memref_slice %arg7[%scan3A_246, %get3A_577, %get3A_578] : memref<8x128x16xf32, #tpu.memory_space<vmem>> -> memref<1x128x16xf32, #tpu.memory_space<vmem>>
        %get3A_580 = tpu.memref_squeeze %get3A_579 : memref<1x128x16xf32, #tpu.memory_space<vmem>> -> memref<128x16xf32, #tpu.memory_space<vmem>>
        %get3A_581 = arith.index_cast %add3A_576 : i32 to index
        %get3A_582 = arith.constant 0 : index
        %get3A_583 = tpu.vector_load %get3A_580[%get3A_581, %get3A_582] {strides = array<i32>} : memref<128x16xf32, #tpu.memory_space<vmem>>, vector<16xf32>,
        %add3A_584 = arith.addf %scan3A_545, %get3A_583 : vector<16xf32>
        scf.yield %add3A_554, %add3A_564, %add3A_574, %add3A_584 : vector<16xf32>, vector<16xf32>, vector<16xf32>, vector<16xf32>
      }
      %scan3A_252 = arith.constant 32 : i32
      %add3A_253 = arith.addf %scan3A_251#0, %scan3A_251#1 : vector<16xf32>
      %add3A_254 = arith.addf %scan3A_251#2, %scan3A_251#3 : vector<16xf32>
      %add3A_255 = arith.addf %add3A_253, %add3A_254 : vector<16xf32>
      %swap3A_256 = arith.index_cast %add3A_222 : i32 to index
      %swap3A_257 = arith.constant 0 : index
      %swap3A_258 = tpu.vector_load %arg8[%swap3A_256, %swap3A_257] {strides = array<i32>} : memref<200x16xf32, #tpu.memory_space<vmem>>, vector<16xf32>,
      tpu.vector_store %arg8[%swap3A_256, %swap3A_257], %add3A_255 {strides = array<i32>} : memref<200x16xf32, #tpu.memory_space<vmem>>, vector<16xf32>,
      %lt3A_259 = arith.constant 200 : i32
      %lt3A_260 = arith.cmpi slt, %add3A_224, %lt3A_259 : i32
      %convert_element_type3A_261 = arith.extui %lt3A_260 : i1 to i32
      %cond3A_262 = arith.constant 1 : i32
      %cond3A_263 = arith.constant 0 : i32
      %cond3A_264 = arith.cmpi ne, %convert_element_type3A_261, %cond3A_263 : i32
      scf.if %cond3A_264 {
        %dma_start3A_541 = arith.constant 1 : i32
        %dma_start3A_542 = arith.constant 0 : i32
        %dma_start3A_543 = arith.constant 0 : i32
        %dma_start3A_544 = tpu.memref_slice %arg7[%cond3A_262, %dma_start3A_542, %dma_start3A_543] : memref<8x128x16xf32, #tpu.memory_space<vmem>> -> memref<1x128x16xf32, #tpu.memory_space<vmem>>
        %dma_start3A_545 = tpu.memref_squeeze %dma_start3A_544 : memref<1x128x16xf32, #tpu.memory_space<vmem>> -> memref<128x16xf32, #tpu.memory_space<vmem>>
        %dma_start3A_546 = arith.constant 0 : i32
        %dma_start3A_547 = tpu.memref_slice %arg6[%add3A_224, %dma_start3A_546] : memref<200x128xi32, #tpu.memory_space<vmem>> -> memref<1x128xi32, #tpu.memory_space<vmem>>
        %dma_start3A_548 = tpu.memref_squeeze %dma_start3A_547 : memref<1x128xi32, #tpu.memory_space<vmem>> -> memref<128xi32, #tpu.memory_space<vmem>>
        %dma_start3A_549 = arith.constant 0 : i32
        %dma_start3A_550 = arith.constant 0 : i32
        %dma_start3A_551 = tpu.memref_slice %arg2[%dma_start3A_549, %dma_start3A_550] : memref<100000x16xf32, #tpu.memory_space<hbm>> -> memref<100000x16xf32, #tpu.memory_space<hbm>>
        %dma_start3A_552 = tpu.memref_slice %arg9[%dma_start3A_541] : memref<8x!tpu.dma_semaphore, #tpu.memory_space<semaphore_mem>> -> memref<1x!tpu.dma_semaphore, #tpu.memory_space<semaphore_mem>>
        %dma_start3A_553 = tpu.memref_squeeze %dma_start3A_552 : memref<1x!tpu.dma_semaphore, #tpu.memory_space<semaphore_mem>> -> memref<!tpu.dma_semaphore, #tpu.memory_space<semaphore_mem>>
        tpu.enqueue_indirect_dma source(%dma_start3A_551 : memref<100000x16xf32, #tpu.memory_space<hbm>>) target(%dma_start3A_545 : memref<128x16xf32, #tpu.memory_space<vmem>>) offsets(%dma_start3A_548 : memref<128xi32, #tpu.memory_space<vmem>>) semaphore(%dma_start3A_553 : memref<!tpu.dma_semaphore, #tpu.memory_space<semaphore_mem>>)
      } else {
      }
      %mul3A_265 = arith.constant 8 : i32
      %mul3A_266 = arith.muli %scan3A_178, %mul3A_265 : i32
      %add3A_267 = arith.constant 2 : i32
      %add3A_268 = arith.addi %mul3A_266, %add3A_267 : i32
      %add3A_269 = arith.constant 8 : i32
      %add3A_270 = arith.addi %add3A_268, %add3A_269 : i32
      %lt3A_271 = arith.constant 200 : i32
      %lt3A_272 = arith.cmpi slt, %add3A_270, %lt3A_271 : i32
      %convert_element_type3A_273 = arith.extui %lt3A_272 : i1 to i32
      %cond3A_274 = arith.constant 0 : i32
      %cond3A_275 = arith.cmpi ne, %convert_element_type3A_273, %cond3A_274 : i32
      scf.if %cond3A_275 {
        %scan3A_541 = arith.constant 0 : i32
        %scan3A_542 = arith.constant 0 : i32
        %scan3A_543 = arith.constant 8 : i32
        %scan3A_544 = arith.addi %scan3A_542, %scan3A_543 : i32
        %scan3A_545 = arith.constant 1 : i32
        scf.for %scan3A_547 = %scan3A_542 to %scan3A_544 step %scan3A_545  : i32 {
          %mul3A_548 = arith.constant 16 : i32
          %mul3A_549 = arith.muli %scan3A_547, %mul3A_548 : i32
          %mul3A_550 = arith.constant 200 : i32
          %mul3A_551 = arith.muli %mul3A_549, %mul3A_550 : i32
          %add3A_552 = arith.addi %mul3A_551, %add3A_270 : i32
          %broadcast_in_dim3A_553 = vector.broadcast %add3A_552 : i32 to vector<16xi32>
          %add3A_554 = arith.addi %broadcast_in_dim3A_553, %mul3A_5 : vector<16xi32>
          %shift_right_arithmetic3A = arith.constant 7 : i32
          %shift_right_arithmetic3A_555 = vector.broadcast %shift_right_arithmetic3A : i32 to vector<16xi32>
          %shift_right_arithmetic3A_556 = arith.shrsi %add3A_554, %shift_right_arithmetic3A_555 : vector<16xi32>
          %and3A = arith.constant 127 : i32
          %and3A_557 = vector.broadcast %and3A : i32 to vector<16xi32>
          %and3A_558 = arith.andi %add3A_554, %and3A_557 : vector<16xi32>
          %gather3A = tpu.vector_load_idx %arg5[%shift_right_arithmetic3A_556, %and3A_558] : memref<200x128xi32, #tpu.memory_space<vmem>>[vector<16xi32>, vector<16xi32>], vector<16xi32>,
          %mul3A_559 = arith.constant 16 : i32
          %mul3A_560 = arith.muli %scan3A_547, %mul3A_559 : i32
          %swap3A_561 = arith.index_cast %add3A_270 : i32 to index
          %swap3A_562 = arith.index_cast %mul3A_560 : i32 to index
          %swap3A_563 = tpu.vector_load %arg6[%swap3A_561, %swap3A_562] {strides = array<i32>} : memref<200x128xi32, #tpu.memory_space<vmem>>, vector<16xi32>,
          tpu.vector_store %arg6[%swap3A_561, %swap3A_562], %gather3A {strides = array<i32>} : memref<200x128xi32, #tpu.memory_space<vmem>>, vector<16xi32>,
        }
        %scan3A_546 = arith.constant 8 : i32
      } else {
      }
      %dma_wait3A_276 = arith.constant 2 : i32
      %dma_wait3A_277 = arith.constant 2 : i32
      %dma_wait3A_278 = arith.constant 0 : i32
      %dma_wait3A_279 = arith.constant 0 : i32
      %dma_wait3A_280 = tpu.memref_slice %arg7[%dma_wait3A_276, %dma_wait3A_278, %dma_wait3A_279] : memref<8x128x16xf32, #tpu.memory_space<vmem>> -> memref<1x128x16xf32, #tpu.memory_space<vmem>>
      %dma_wait3A_281 = tpu.memref_squeeze %dma_wait3A_280 : memref<1x128x16xf32, #tpu.memory_space<vmem>> -> memref<128x16xf32, #tpu.memory_space<vmem>>
      %dma_wait3A_282 = arith.constant 0 : i32
      %dma_wait3A_283 = tpu.memref_slice %arg6[%add3A_268, %dma_wait3A_282] : memref<200x128xi32, #tpu.memory_space<vmem>> -> memref<1x128xi32, #tpu.memory_space<vmem>>
      %dma_wait3A_284 = tpu.memref_squeeze %dma_wait3A_283 : memref<1x128xi32, #tpu.memory_space<vmem>> -> memref<128xi32, #tpu.memory_space<vmem>>
      %dma_wait3A_285 = arith.constant 0 : i32
      %dma_wait3A_286 = arith.constant 0 : i32
      %dma_wait3A_287 = tpu.memref_slice %arg2[%dma_wait3A_285, %dma_wait3A_286] : memref<100000x16xf32, #tpu.memory_space<hbm>> -> memref<100000x16xf32, #tpu.memory_space<hbm>>
      %dma_wait3A_288 = tpu.memref_slice %arg9[%dma_wait3A_277] : memref<8x!tpu.dma_semaphore, #tpu.memory_space<semaphore_mem>> -> memref<1x!tpu.dma_semaphore, #tpu.memory_space<semaphore_mem>>
      %dma_wait3A_289 = tpu.memref_squeeze %dma_wait3A_288 : memref<1x!tpu.dma_semaphore, #tpu.memory_space<semaphore_mem>> -> memref<!tpu.dma_semaphore, #tpu.memory_space<semaphore_mem>>
      tpu.wait_indirect_dma semaphore(%dma_wait3A_289 : memref<!tpu.dma_semaphore, #tpu.memory_space<semaphore_mem>>) src(%dma_wait3A_287 : memref<100000x16xf32, #tpu.memory_space<hbm>>) dst(%dma_wait3A_281 : memref<128x16xf32, #tpu.memory_space<vmem>>)
      %broadcast_in_dim3A_290 = arith.constant 0.000000e+00 : f32
      %broadcast_in_dim3A_291 = vector.broadcast %broadcast_in_dim3A_290 : f32 to vector<16xf32>
      %scan3A_292 = arith.constant 2 : i32
      %scan3A_293 = arith.constant 0 : i32
      %scan3A_294 = arith.constant 32 : i32
      %scan3A_295 = arith.addi %scan3A_293, %scan3A_294 : i32
      %scan3A_296 = arith.constant 1 : i32
      %scan3A_297:4 = scf.for %scan3A_541 = %scan3A_293 to %scan3A_295 step %scan3A_296 iter_args(%scan3A_542 = %broadcast_in_dim3A_291, %scan3A_543 = %broadcast_in_dim3A_291, %scan3A_544 = %broadcast_in_dim3A_291, %scan3A_545 = %broadcast_in_dim3A_291) -> (vector<16xf32>, vector<16xf32>, vector<16xf32>, vector<16xf32>)  : i32 {
        %mul3A_546 = arith.constant 4 : i32
        %mul3A_547 = arith.muli %scan3A_541, %mul3A_546 : i32
        %get3A = arith.constant 0 : i32
        %get3A_548 = arith.constant 0 : i32
        %get3A_549 = tpu.memref_slice %arg7[%scan3A_292, %get3A, %get3A_548] : memref<8x128x16xf32, #tpu.memory_space<vmem>> -> memref<1x128x16xf32, #tpu.memory_space<vmem>>
        %get3A_550 = tpu.memref_squeeze %get3A_549 : memref<1x128x16xf32, #tpu.memory_space<vmem>> -> memref<128x16xf32, #tpu.memory_space<vmem>>
        %get3A_551 = arith.index_cast %mul3A_547 : i32 to index
        %get3A_552 = arith.constant 0 : index
        %get3A_553 = tpu.vector_load %get3A_550[%get3A_551, %get3A_552] {strides = array<i32>} : memref<128x16xf32, #tpu.memory_space<vmem>>, vector<16xf32>,
        %add3A_554 = arith.addf %scan3A_542, %get3A_553 : vector<16xf32>
        %add3A_555 = arith.constant 1 : i32
        %add3A_556 = arith.addi %mul3A_547, %add3A_555 : i32
        %get3A_557 = arith.constant 0 : i32
        %get3A_558 = arith.constant 0 : i32
        %get3A_559 = tpu.memref_slice %arg7[%scan3A_292, %get3A_557, %get3A_558] : memref<8x128x16xf32, #tpu.memory_space<vmem>> -> memref<1x128x16xf32, #tpu.memory_space<vmem>>
        %get3A_560 = tpu.memref_squeeze %get3A_559 : memref<1x128x16xf32, #tpu.memory_space<vmem>> -> memref<128x16xf32, #tpu.memory_space<vmem>>
        %get3A_561 = arith.index_cast %add3A_556 : i32 to index
        %get3A_562 = arith.constant 0 : index
        %get3A_563 = tpu.vector_load %get3A_560[%get3A_561, %get3A_562] {strides = array<i32>} : memref<128x16xf32, #tpu.memory_space<vmem>>, vector<16xf32>,
        %add3A_564 = arith.addf %scan3A_543, %get3A_563 : vector<16xf32>
        %add3A_565 = arith.constant 2 : i32
        %add3A_566 = arith.addi %mul3A_547, %add3A_565 : i32
        %get3A_567 = arith.constant 0 : i32
        %get3A_568 = arith.constant 0 : i32
        %get3A_569 = tpu.memref_slice %arg7[%scan3A_292, %get3A_567, %get3A_568] : memref<8x128x16xf32, #tpu.memory_space<vmem>> -> memref<1x128x16xf32, #tpu.memory_space<vmem>>
        %get3A_570 = tpu.memref_squeeze %get3A_569 : memref<1x128x16xf32, #tpu.memory_space<vmem>> -> memref<128x16xf32, #tpu.memory_space<vmem>>
        %get3A_571 = arith.index_cast %add3A_566 : i32 to index
        %get3A_572 = arith.constant 0 : index
        %get3A_573 = tpu.vector_load %get3A_570[%get3A_571, %get3A_572] {strides = array<i32>} : memref<128x16xf32, #tpu.memory_space<vmem>>, vector<16xf32>,
        %add3A_574 = arith.addf %scan3A_544, %get3A_573 : vector<16xf32>
        %add3A_575 = arith.constant 3 : i32
        %add3A_576 = arith.addi %mul3A_547, %add3A_575 : i32
        %get3A_577 = arith.constant 0 : i32
        %get3A_578 = arith.constant 0 : i32
        %get3A_579 = tpu.memref_slice %arg7[%scan3A_292, %get3A_577, %get3A_578] : memref<8x128x16xf32, #tpu.memory_space<vmem>> -> memref<1x128x16xf32, #tpu.memory_space<vmem>>
        %get3A_580 = tpu.memref_squeeze %get3A_579 : memref<1x128x16xf32, #tpu.memory_space<vmem>> -> memref<128x16xf32, #tpu.memory_space<vmem>>
        %get3A_581 = arith.index_cast %add3A_576 : i32 to index
        %get3A_582 = arith.constant 0 : index
        %get3A_583 = tpu.vector_load %get3A_580[%get3A_581, %get3A_582] {strides = array<i32>} : memref<128x16xf32, #tpu.memory_space<vmem>>, vector<16xf32>,
        %add3A_584 = arith.addf %scan3A_545, %get3A_583 : vector<16xf32>
        scf.yield %add3A_554, %add3A_564, %add3A_574, %add3A_584 : vector<16xf32>, vector<16xf32>, vector<16xf32>, vector<16xf32>
      }
      %scan3A_298 = arith.constant 32 : i32
      %add3A_299 = arith.addf %scan3A_297#0, %scan3A_297#1 : vector<16xf32>
      %add3A_300 = arith.addf %scan3A_297#2, %scan3A_297#3 : vector<16xf32>
      %add3A_301 = arith.addf %add3A_299, %add3A_300 : vector<16xf32>
      %swap3A_302 = arith.index_cast %add3A_268 : i32 to index
      %swap3A_303 = arith.constant 0 : index
      %swap3A_304 = tpu.vector_load %arg8[%swap3A_302, %swap3A_303] {strides = array<i32>} : memref<200x16xf32, #tpu.memory_space<vmem>>, vector<16xf32>,
      tpu.vector_store %arg8[%swap3A_302, %swap3A_303], %add3A_301 {strides = array<i32>} : memref<200x16xf32, #tpu.memory_space<vmem>>, vector<16xf32>,
      %lt3A_305 = arith.constant 200 : i32
      %lt3A_306 = arith.cmpi slt, %add3A_270, %lt3A_305 : i32
      %convert_element_type3A_307 = arith.extui %lt3A_306 : i1 to i32
      %cond3A_308 = arith.constant 2 : i32
      %cond3A_309 = arith.constant 0 : i32
      %cond3A_310 = arith.cmpi ne, %convert_element_type3A_307, %cond3A_309 : i32
      scf.if %cond3A_310 {
        %dma_start3A_541 = arith.constant 2 : i32
        %dma_start3A_542 = arith.constant 0 : i32
        %dma_start3A_543 = arith.constant 0 : i32
        %dma_start3A_544 = tpu.memref_slice %arg7[%cond3A_308, %dma_start3A_542, %dma_start3A_543] : memref<8x128x16xf32, #tpu.memory_space<vmem>> -> memref<1x128x16xf32, #tpu.memory_space<vmem>>
        %dma_start3A_545 = tpu.memref_squeeze %dma_start3A_544 : memref<1x128x16xf32, #tpu.memory_space<vmem>> -> memref<128x16xf32, #tpu.memory_space<vmem>>
        %dma_start3A_546 = arith.constant 0 : i32
        %dma_start3A_547 = tpu.memref_slice %arg6[%add3A_270, %dma_start3A_546] : memref<200x128xi32, #tpu.memory_space<vmem>> -> memref<1x128xi32, #tpu.memory_space<vmem>>
        %dma_start3A_548 = tpu.memref_squeeze %dma_start3A_547 : memref<1x128xi32, #tpu.memory_space<vmem>> -> memref<128xi32, #tpu.memory_space<vmem>>
        %dma_start3A_549 = arith.constant 0 : i32
        %dma_start3A_550 = arith.constant 0 : i32
        %dma_start3A_551 = tpu.memref_slice %arg2[%dma_start3A_549, %dma_start3A_550] : memref<100000x16xf32, #tpu.memory_space<hbm>> -> memref<100000x16xf32, #tpu.memory_space<hbm>>
        %dma_start3A_552 = tpu.memref_slice %arg9[%dma_start3A_541] : memref<8x!tpu.dma_semaphore, #tpu.memory_space<semaphore_mem>> -> memref<1x!tpu.dma_semaphore, #tpu.memory_space<semaphore_mem>>
        %dma_start3A_553 = tpu.memref_squeeze %dma_start3A_552 : memref<1x!tpu.dma_semaphore, #tpu.memory_space<semaphore_mem>> -> memref<!tpu.dma_semaphore, #tpu.memory_space<semaphore_mem>>
        tpu.enqueue_indirect_dma source(%dma_start3A_551 : memref<100000x16xf32, #tpu.memory_space<hbm>>) target(%dma_start3A_545 : memref<128x16xf32, #tpu.memory_space<vmem>>) offsets(%dma_start3A_548 : memref<128xi32, #tpu.memory_space<vmem>>) semaphore(%dma_start3A_553 : memref<!tpu.dma_semaphore, #tpu.memory_space<semaphore_mem>>)
      } else {
      }
      %mul3A_311 = arith.constant 8 : i32
      %mul3A_312 = arith.muli %scan3A_178, %mul3A_311 : i32
      %add3A_313 = arith.constant 3 : i32
      %add3A_314 = arith.addi %mul3A_312, %add3A_313 : i32
      %add3A_315 = arith.constant 8 : i32
      %add3A_316 = arith.addi %add3A_314, %add3A_315 : i32
      %lt3A_317 = arith.constant 200 : i32
      %lt3A_318 = arith.cmpi slt, %add3A_316, %lt3A_317 : i32
      %convert_element_type3A_319 = arith.extui %lt3A_318 : i1 to i32
      %cond3A_320 = arith.constant 0 : i32
      %cond3A_321 = arith.cmpi ne, %convert_element_type3A_319, %cond3A_320 : i32
      scf.if %cond3A_321 {
        %scan3A_541 = arith.constant 0 : i32
        %scan3A_542 = arith.constant 0 : i32
        %scan3A_543 = arith.constant 8 : i32
        %scan3A_544 = arith.addi %scan3A_542, %scan3A_543 : i32
        %scan3A_545 = arith.constant 1 : i32
        scf.for %scan3A_547 = %scan3A_542 to %scan3A_544 step %scan3A_545  : i32 {
          %mul3A_548 = arith.constant 16 : i32
          %mul3A_549 = arith.muli %scan3A_547, %mul3A_548 : i32
          %mul3A_550 = arith.constant 200 : i32
          %mul3A_551 = arith.muli %mul3A_549, %mul3A_550 : i32
          %add3A_552 = arith.addi %mul3A_551, %add3A_316 : i32
          %broadcast_in_dim3A_553 = vector.broadcast %add3A_552 : i32 to vector<16xi32>
          %add3A_554 = arith.addi %broadcast_in_dim3A_553, %mul3A_5 : vector<16xi32>
          %shift_right_arithmetic3A = arith.constant 7 : i32
          %shift_right_arithmetic3A_555 = vector.broadcast %shift_right_arithmetic3A : i32 to vector<16xi32>
          %shift_right_arithmetic3A_556 = arith.shrsi %add3A_554, %shift_right_arithmetic3A_555 : vector<16xi32>
          %and3A = arith.constant 127 : i32
          %and3A_557 = vector.broadcast %and3A : i32 to vector<16xi32>
          %and3A_558 = arith.andi %add3A_554, %and3A_557 : vector<16xi32>
          %gather3A = tpu.vector_load_idx %arg5[%shift_right_arithmetic3A_556, %and3A_558] : memref<200x128xi32, #tpu.memory_space<vmem>>[vector<16xi32>, vector<16xi32>], vector<16xi32>,
          %mul3A_559 = arith.constant 16 : i32
          %mul3A_560 = arith.muli %scan3A_547, %mul3A_559 : i32
          %swap3A_561 = arith.index_cast %add3A_316 : i32 to index
          %swap3A_562 = arith.index_cast %mul3A_560 : i32 to index
          %swap3A_563 = tpu.vector_load %arg6[%swap3A_561, %swap3A_562] {strides = array<i32>} : memref<200x128xi32, #tpu.memory_space<vmem>>, vector<16xi32>,
          tpu.vector_store %arg6[%swap3A_561, %swap3A_562], %gather3A {strides = array<i32>} : memref<200x128xi32, #tpu.memory_space<vmem>>, vector<16xi32>,
        }
        %scan3A_546 = arith.constant 8 : i32
      } else {
      }
      %dma_wait3A_322 = arith.constant 3 : i32
      %dma_wait3A_323 = arith.constant 3 : i32
      %dma_wait3A_324 = arith.constant 0 : i32
      %dma_wait3A_325 = arith.constant 0 : i32
      %dma_wait3A_326 = tpu.memref_slice %arg7[%dma_wait3A_322, %dma_wait3A_324, %dma_wait3A_325] : memref<8x128x16xf32, #tpu.memory_space<vmem>> -> memref<1x128x16xf32, #tpu.memory_space<vmem>>
      %dma_wait3A_327 = tpu.memref_squeeze %dma_wait3A_326 : memref<1x128x16xf32, #tpu.memory_space<vmem>> -> memref<128x16xf32, #tpu.memory_space<vmem>>
      %dma_wait3A_328 = arith.constant 0 : i32
      %dma_wait3A_329 = tpu.memref_slice %arg6[%add3A_314, %dma_wait3A_328] : memref<200x128xi32, #tpu.memory_space<vmem>> -> memref<1x128xi32, #tpu.memory_space<vmem>>
      %dma_wait3A_330 = tpu.memref_squeeze %dma_wait3A_329 : memref<1x128xi32, #tpu.memory_space<vmem>> -> memref<128xi32, #tpu.memory_space<vmem>>
      %dma_wait3A_331 = arith.constant 0 : i32
      %dma_wait3A_332 = arith.constant 0 : i32
      %dma_wait3A_333 = tpu.memref_slice %arg2[%dma_wait3A_331, %dma_wait3A_332] : memref<100000x16xf32, #tpu.memory_space<hbm>> -> memref<100000x16xf32, #tpu.memory_space<hbm>>
      %dma_wait3A_334 = tpu.memref_slice %arg9[%dma_wait3A_323] : memref<8x!tpu.dma_semaphore, #tpu.memory_space<semaphore_mem>> -> memref<1x!tpu.dma_semaphore, #tpu.memory_space<semaphore_mem>>
      %dma_wait3A_335 = tpu.memref_squeeze %dma_wait3A_334 : memref<1x!tpu.dma_semaphore, #tpu.memory_space<semaphore_mem>> -> memref<!tpu.dma_semaphore, #tpu.memory_space<semaphore_mem>>
      tpu.wait_indirect_dma semaphore(%dma_wait3A_335 : memref<!tpu.dma_semaphore, #tpu.memory_space<semaphore_mem>>) src(%dma_wait3A_333 : memref<100000x16xf32, #tpu.memory_space<hbm>>) dst(%dma_wait3A_327 : memref<128x16xf32, #tpu.memory_space<vmem>>)
      %broadcast_in_dim3A_336 = arith.constant 0.000000e+00 : f32
      %broadcast_in_dim3A_337 = vector.broadcast %broadcast_in_dim3A_336 : f32 to vector<16xf32>
      %scan3A_338 = arith.constant 3 : i32
      %scan3A_339 = arith.constant 0 : i32
      %scan3A_340 = arith.constant 32 : i32
      %scan3A_341 = arith.addi %scan3A_339, %scan3A_340 : i32
      %scan3A_342 = arith.constant 1 : i32
      %scan3A_343:4 = scf.for %scan3A_541 = %scan3A_339 to %scan3A_341 step %scan3A_342 iter_args(%scan3A_542 = %broadcast_in_dim3A_337, %scan3A_543 = %broadcast_in_dim3A_337, %scan3A_544 = %broadcast_in_dim3A_337, %scan3A_545 = %broadcast_in_dim3A_337) -> (vector<16xf32>, vector<16xf32>, vector<16xf32>, vector<16xf32>)  : i32 {
        %mul3A_546 = arith.constant 4 : i32
        %mul3A_547 = arith.muli %scan3A_541, %mul3A_546 : i32
        %get3A = arith.constant 0 : i32
        %get3A_548 = arith.constant 0 : i32
        %get3A_549 = tpu.memref_slice %arg7[%scan3A_338, %get3A, %get3A_548] : memref<8x128x16xf32, #tpu.memory_space<vmem>> -> memref<1x128x16xf32, #tpu.memory_space<vmem>>
        %get3A_550 = tpu.memref_squeeze %get3A_549 : memref<1x128x16xf32, #tpu.memory_space<vmem>> -> memref<128x16xf32, #tpu.memory_space<vmem>>
        %get3A_551 = arith.index_cast %mul3A_547 : i32 to index
        %get3A_552 = arith.constant 0 : index
        %get3A_553 = tpu.vector_load %get3A_550[%get3A_551, %get3A_552] {strides = array<i32>} : memref<128x16xf32, #tpu.memory_space<vmem>>, vector<16xf32>,
        %add3A_554 = arith.addf %scan3A_542, %get3A_553 : vector<16xf32>
        %add3A_555 = arith.constant 1 : i32
        %add3A_556 = arith.addi %mul3A_547, %add3A_555 : i32
        %get3A_557 = arith.constant 0 : i32
        %get3A_558 = arith.constant 0 : i32
        %get3A_559 = tpu.memref_slice %arg7[%scan3A_338, %get3A_557, %get3A_558] : memref<8x128x16xf32, #tpu.memory_space<vmem>> -> memref<1x128x16xf32, #tpu.memory_space<vmem>>
        %get3A_560 = tpu.memref_squeeze %get3A_559 : memref<1x128x16xf32, #tpu.memory_space<vmem>> -> memref<128x16xf32, #tpu.memory_space<vmem>>
        %get3A_561 = arith.index_cast %add3A_556 : i32 to index
        %get3A_562 = arith.constant 0 : index
        %get3A_563 = tpu.vector_load %get3A_560[%get3A_561, %get3A_562] {strides = array<i32>} : memref<128x16xf32, #tpu.memory_space<vmem>>, vector<16xf32>,
        %add3A_564 = arith.addf %scan3A_543, %get3A_563 : vector<16xf32>
        %add3A_565 = arith.constant 2 : i32
        %add3A_566 = arith.addi %mul3A_547, %add3A_565 : i32
        %get3A_567 = arith.constant 0 : i32
        %get3A_568 = arith.constant 0 : i32
        %get3A_569 = tpu.memref_slice %arg7[%scan3A_338, %get3A_567, %get3A_568] : memref<8x128x16xf32, #tpu.memory_space<vmem>> -> memref<1x128x16xf32, #tpu.memory_space<vmem>>
        %get3A_570 = tpu.memref_squeeze %get3A_569 : memref<1x128x16xf32, #tpu.memory_space<vmem>> -> memref<128x16xf32, #tpu.memory_space<vmem>>
        %get3A_571 = arith.index_cast %add3A_566 : i32 to index
        %get3A_572 = arith.constant 0 : index
        %get3A_573 = tpu.vector_load %get3A_570[%get3A_571, %get3A_572] {strides = array<i32>} : memref<128x16xf32, #tpu.memory_space<vmem>>, vector<16xf32>,
        %add3A_574 = arith.addf %scan3A_544, %get3A_573 : vector<16xf32>
        %add3A_575 = arith.constant 3 : i32
        %add3A_576 = arith.addi %mul3A_547, %add3A_575 : i32
        %get3A_577 = arith.constant 0 : i32
        %get3A_578 = arith.constant 0 : i32
        %get3A_579 = tpu.memref_slice %arg7[%scan3A_338, %get3A_577, %get3A_578] : memref<8x128x16xf32, #tpu.memory_space<vmem>> -> memref<1x128x16xf32, #tpu.memory_space<vmem>>
        %get3A_580 = tpu.memref_squeeze %get3A_579 : memref<1x128x16xf32, #tpu.memory_space<vmem>> -> memref<128x16xf32, #tpu.memory_space<vmem>>
        %get3A_581 = arith.index_cast %add3A_576 : i32 to index
        %get3A_582 = arith.constant 0 : index
        %get3A_583 = tpu.vector_load %get3A_580[%get3A_581, %get3A_582] {strides = array<i32>} : memref<128x16xf32, #tpu.memory_space<vmem>>, vector<16xf32>,
        %add3A_584 = arith.addf %scan3A_545, %get3A_583 : vector<16xf32>
        scf.yield %add3A_554, %add3A_564, %add3A_574, %add3A_584 : vector<16xf32>, vector<16xf32>, vector<16xf32>, vector<16xf32>
      }
      %scan3A_344 = arith.constant 32 : i32
      %add3A_345 = arith.addf %scan3A_343#0, %scan3A_343#1 : vector<16xf32>
      %add3A_346 = arith.addf %scan3A_343#2, %scan3A_343#3 : vector<16xf32>
      %add3A_347 = arith.addf %add3A_345, %add3A_346 : vector<16xf32>
      %swap3A_348 = arith.index_cast %add3A_314 : i32 to index
      %swap3A_349 = arith.constant 0 : index
      %swap3A_350 = tpu.vector_load %arg8[%swap3A_348, %swap3A_349] {strides = array<i32>} : memref<200x16xf32, #tpu.memory_space<vmem>>, vector<16xf32>,
      tpu.vector_store %arg8[%swap3A_348, %swap3A_349], %add3A_347 {strides = array<i32>} : memref<200x16xf32, #tpu.memory_space<vmem>>, vector<16xf32>,
      %lt3A_351 = arith.constant 200 : i32
      %lt3A_352 = arith.cmpi slt, %add3A_316, %lt3A_351 : i32
      %convert_element_type3A_353 = arith.extui %lt3A_352 : i1 to i32
      %cond3A_354 = arith.constant 3 : i32
      %cond3A_355 = arith.constant 0 : i32
      %cond3A_356 = arith.cmpi ne, %convert_element_type3A_353, %cond3A_355 : i32
      scf.if %cond3A_356 {
        %dma_start3A_541 = arith.constant 3 : i32
        %dma_start3A_542 = arith.constant 0 : i32
        %dma_start3A_543 = arith.constant 0 : i32
        %dma_start3A_544 = tpu.memref_slice %arg7[%cond3A_354, %dma_start3A_542, %dma_start3A_543] : memref<8x128x16xf32, #tpu.memory_space<vmem>> -> memref<1x128x16xf32, #tpu.memory_space<vmem>>
        %dma_start3A_545 = tpu.memref_squeeze %dma_start3A_544 : memref<1x128x16xf32, #tpu.memory_space<vmem>> -> memref<128x16xf32, #tpu.memory_space<vmem>>
        %dma_start3A_546 = arith.constant 0 : i32
        %dma_start3A_547 = tpu.memref_slice %arg6[%add3A_316, %dma_start3A_546] : memref<200x128xi32, #tpu.memory_space<vmem>> -> memref<1x128xi32, #tpu.memory_space<vmem>>
        %dma_start3A_548 = tpu.memref_squeeze %dma_start3A_547 : memref<1x128xi32, #tpu.memory_space<vmem>> -> memref<128xi32, #tpu.memory_space<vmem>>
        %dma_start3A_549 = arith.constant 0 : i32
        %dma_start3A_550 = arith.constant 0 : i32
        %dma_start3A_551 = tpu.memref_slice %arg2[%dma_start3A_549, %dma_start3A_550] : memref<100000x16xf32, #tpu.memory_space<hbm>> -> memref<100000x16xf32, #tpu.memory_space<hbm>>
        %dma_start3A_552 = tpu.memref_slice %arg9[%dma_start3A_541] : memref<8x!tpu.dma_semaphore, #tpu.memory_space<semaphore_mem>> -> memref<1x!tpu.dma_semaphore, #tpu.memory_space<semaphore_mem>>
        %dma_start3A_553 = tpu.memref_squeeze %dma_start3A_552 : memref<1x!tpu.dma_semaphore, #tpu.memory_space<semaphore_mem>> -> memref<!tpu.dma_semaphore, #tpu.memory_space<semaphore_mem>>
        tpu.enqueue_indirect_dma source(%dma_start3A_551 : memref<100000x16xf32, #tpu.memory_space<hbm>>) target(%dma_start3A_545 : memref<128x16xf32, #tpu.memory_space<vmem>>) offsets(%dma_start3A_548 : memref<128xi32, #tpu.memory_space<vmem>>) semaphore(%dma_start3A_553 : memref<!tpu.dma_semaphore, #tpu.memory_space<semaphore_mem>>)
      } else {
      }
      %mul3A_357 = arith.constant 8 : i32
      %mul3A_358 = arith.muli %scan3A_178, %mul3A_357 : i32
      %add3A_359 = arith.constant 4 : i32
      %add3A_360 = arith.addi %mul3A_358, %add3A_359 : i32
      %add3A_361 = arith.constant 8 : i32
      %add3A_362 = arith.addi %add3A_360, %add3A_361 : i32
      %lt3A_363 = arith.constant 200 : i32
      %lt3A_364 = arith.cmpi slt, %add3A_362, %lt3A_363 : i32
      %convert_element_type3A_365 = arith.extui %lt3A_364 : i1 to i32
      %cond3A_366 = arith.constant 0 : i32
      %cond3A_367 = arith.cmpi ne, %convert_element_type3A_365, %cond3A_366 : i32
      scf.if %cond3A_367 {
        %scan3A_541 = arith.constant 0 : i32
        %scan3A_542 = arith.constant 0 : i32
        %scan3A_543 = arith.constant 8 : i32
        %scan3A_544 = arith.addi %scan3A_542, %scan3A_543 : i32
        %scan3A_545 = arith.constant 1 : i32
        scf.for %scan3A_547 = %scan3A_542 to %scan3A_544 step %scan3A_545  : i32 {
          %mul3A_548 = arith.constant 16 : i32
          %mul3A_549 = arith.muli %scan3A_547, %mul3A_548 : i32
          %mul3A_550 = arith.constant 200 : i32
          %mul3A_551 = arith.muli %mul3A_549, %mul3A_550 : i32
          %add3A_552 = arith.addi %mul3A_551, %add3A_362 : i32
          %broadcast_in_dim3A_553 = vector.broadcast %add3A_552 : i32 to vector<16xi32>
          %add3A_554 = arith.addi %broadcast_in_dim3A_553, %mul3A_5 : vector<16xi32>
          %shift_right_arithmetic3A = arith.constant 7 : i32
          %shift_right_arithmetic3A_555 = vector.broadcast %shift_right_arithmetic3A : i32 to vector<16xi32>
          %shift_right_arithmetic3A_556 = arith.shrsi %add3A_554, %shift_right_arithmetic3A_555 : vector<16xi32>
          %and3A = arith.constant 127 : i32
          %and3A_557 = vector.broadcast %and3A : i32 to vector<16xi32>
          %and3A_558 = arith.andi %add3A_554, %and3A_557 : vector<16xi32>
          %gather3A = tpu.vector_load_idx %arg5[%shift_right_arithmetic3A_556, %and3A_558] : memref<200x128xi32, #tpu.memory_space<vmem>>[vector<16xi32>, vector<16xi32>], vector<16xi32>,
          %mul3A_559 = arith.constant 16 : i32
          %mul3A_560 = arith.muli %scan3A_547, %mul3A_559 : i32
          %swap3A_561 = arith.index_cast %add3A_362 : i32 to index
          %swap3A_562 = arith.index_cast %mul3A_560 : i32 to index
          %swap3A_563 = tpu.vector_load %arg6[%swap3A_561, %swap3A_562] {strides = array<i32>} : memref<200x128xi32, #tpu.memory_space<vmem>>, vector<16xi32>,
          tpu.vector_store %arg6[%swap3A_561, %swap3A_562], %gather3A {strides = array<i32>} : memref<200x128xi32, #tpu.memory_space<vmem>>, vector<16xi32>,
        }
        %scan3A_546 = arith.constant 8 : i32
      } else {
      }
      %dma_wait3A_368 = arith.constant 4 : i32
      %dma_wait3A_369 = arith.constant 4 : i32
      %dma_wait3A_370 = arith.constant 0 : i32
      %dma_wait3A_371 = arith.constant 0 : i32
      %dma_wait3A_372 = tpu.memref_slice %arg7[%dma_wait3A_368, %dma_wait3A_370, %dma_wait3A_371] : memref<8x128x16xf32, #tpu.memory_space<vmem>> -> memref<1x128x16xf32, #tpu.memory_space<vmem>>
      %dma_wait3A_373 = tpu.memref_squeeze %dma_wait3A_372 : memref<1x128x16xf32, #tpu.memory_space<vmem>> -> memref<128x16xf32, #tpu.memory_space<vmem>>
      %dma_wait3A_374 = arith.constant 0 : i32
      %dma_wait3A_375 = tpu.memref_slice %arg6[%add3A_360, %dma_wait3A_374] : memref<200x128xi32, #tpu.memory_space<vmem>> -> memref<1x128xi32, #tpu.memory_space<vmem>>
      %dma_wait3A_376 = tpu.memref_squeeze %dma_wait3A_375 : memref<1x128xi32, #tpu.memory_space<vmem>> -> memref<128xi32, #tpu.memory_space<vmem>>
      %dma_wait3A_377 = arith.constant 0 : i32
      %dma_wait3A_378 = arith.constant 0 : i32
      %dma_wait3A_379 = tpu.memref_slice %arg2[%dma_wait3A_377, %dma_wait3A_378] : memref<100000x16xf32, #tpu.memory_space<hbm>> -> memref<100000x16xf32, #tpu.memory_space<hbm>>
      %dma_wait3A_380 = tpu.memref_slice %arg9[%dma_wait3A_369] : memref<8x!tpu.dma_semaphore, #tpu.memory_space<semaphore_mem>> -> memref<1x!tpu.dma_semaphore, #tpu.memory_space<semaphore_mem>>
      %dma_wait3A_381 = tpu.memref_squeeze %dma_wait3A_380 : memref<1x!tpu.dma_semaphore, #tpu.memory_space<semaphore_mem>> -> memref<!tpu.dma_semaphore, #tpu.memory_space<semaphore_mem>>
      tpu.wait_indirect_dma semaphore(%dma_wait3A_381 : memref<!tpu.dma_semaphore, #tpu.memory_space<semaphore_mem>>) src(%dma_wait3A_379 : memref<100000x16xf32, #tpu.memory_space<hbm>>) dst(%dma_wait3A_373 : memref<128x16xf32, #tpu.memory_space<vmem>>)
      %broadcast_in_dim3A_382 = arith.constant 0.000000e+00 : f32
      %broadcast_in_dim3A_383 = vector.broadcast %broadcast_in_dim3A_382 : f32 to vector<16xf32>
      %scan3A_384 = arith.constant 4 : i32
      %scan3A_385 = arith.constant 0 : i32
      %scan3A_386 = arith.constant 32 : i32
      %scan3A_387 = arith.addi %scan3A_385, %scan3A_386 : i32
      %scan3A_388 = arith.constant 1 : i32
      %scan3A_389:4 = scf.for %scan3A_541 = %scan3A_385 to %scan3A_387 step %scan3A_388 iter_args(%scan3A_542 = %broadcast_in_dim3A_383, %scan3A_543 = %broadcast_in_dim3A_383, %scan3A_544 = %broadcast_in_dim3A_383, %scan3A_545 = %broadcast_in_dim3A_383) -> (vector<16xf32>, vector<16xf32>, vector<16xf32>, vector<16xf32>)  : i32 {
        %mul3A_546 = arith.constant 4 : i32
        %mul3A_547 = arith.muli %scan3A_541, %mul3A_546 : i32
        %get3A = arith.constant 0 : i32
        %get3A_548 = arith.constant 0 : i32
        %get3A_549 = tpu.memref_slice %arg7[%scan3A_384, %get3A, %get3A_548] : memref<8x128x16xf32, #tpu.memory_space<vmem>> -> memref<1x128x16xf32, #tpu.memory_space<vmem>>
        %get3A_550 = tpu.memref_squeeze %get3A_549 : memref<1x128x16xf32, #tpu.memory_space<vmem>> -> memref<128x16xf32, #tpu.memory_space<vmem>>
        %get3A_551 = arith.index_cast %mul3A_547 : i32 to index
        %get3A_552 = arith.constant 0 : index
        %get3A_553 = tpu.vector_load %get3A_550[%get3A_551, %get3A_552] {strides = array<i32>} : memref<128x16xf32, #tpu.memory_space<vmem>>, vector<16xf32>,
        %add3A_554 = arith.addf %scan3A_542, %get3A_553 : vector<16xf32>
        %add3A_555 = arith.constant 1 : i32
        %add3A_556 = arith.addi %mul3A_547, %add3A_555 : i32
        %get3A_557 = arith.constant 0 : i32
        %get3A_558 = arith.constant 0 : i32
        %get3A_559 = tpu.memref_slice %arg7[%scan3A_384, %get3A_557, %get3A_558] : memref<8x128x16xf32, #tpu.memory_space<vmem>> -> memref<1x128x16xf32, #tpu.memory_space<vmem>>
        %get3A_560 = tpu.memref_squeeze %get3A_559 : memref<1x128x16xf32, #tpu.memory_space<vmem>> -> memref<128x16xf32, #tpu.memory_space<vmem>>
        %get3A_561 = arith.index_cast %add3A_556 : i32 to index
        %get3A_562 = arith.constant 0 : index
        %get3A_563 = tpu.vector_load %get3A_560[%get3A_561, %get3A_562] {strides = array<i32>} : memref<128x16xf32, #tpu.memory_space<vmem>>, vector<16xf32>,
        %add3A_564 = arith.addf %scan3A_543, %get3A_563 : vector<16xf32>
        %add3A_565 = arith.constant 2 : i32
        %add3A_566 = arith.addi %mul3A_547, %add3A_565 : i32
        %get3A_567 = arith.constant 0 : i32
        %get3A_568 = arith.constant 0 : i32
        %get3A_569 = tpu.memref_slice %arg7[%scan3A_384, %get3A_567, %get3A_568] : memref<8x128x16xf32, #tpu.memory_space<vmem>> -> memref<1x128x16xf32, #tpu.memory_space<vmem>>
        %get3A_570 = tpu.memref_squeeze %get3A_569 : memref<1x128x16xf32, #tpu.memory_space<vmem>> -> memref<128x16xf32, #tpu.memory_space<vmem>>
        %get3A_571 = arith.index_cast %add3A_566 : i32 to index
        %get3A_572 = arith.constant 0 : index
        %get3A_573 = tpu.vector_load %get3A_570[%get3A_571, %get3A_572] {strides = array<i32>} : memref<128x16xf32, #tpu.memory_space<vmem>>, vector<16xf32>,
        %add3A_574 = arith.addf %scan3A_544, %get3A_573 : vector<16xf32>
        %add3A_575 = arith.constant 3 : i32
        %add3A_576 = arith.addi %mul3A_547, %add3A_575 : i32
        %get3A_577 = arith.constant 0 : i32
        %get3A_578 = arith.constant 0 : i32
        %get3A_579 = tpu.memref_slice %arg7[%scan3A_384, %get3A_577, %get3A_578] : memref<8x128x16xf32, #tpu.memory_space<vmem>> -> memref<1x128x16xf32, #tpu.memory_space<vmem>>
        %get3A_580 = tpu.memref_squeeze %get3A_579 : memref<1x128x16xf32, #tpu.memory_space<vmem>> -> memref<128x16xf32, #tpu.memory_space<vmem>>
        %get3A_581 = arith.index_cast %add3A_576 : i32 to index
        %get3A_582 = arith.constant 0 : index
        %get3A_583 = tpu.vector_load %get3A_580[%get3A_581, %get3A_582] {strides = array<i32>} : memref<128x16xf32, #tpu.memory_space<vmem>>, vector<16xf32>,
        %add3A_584 = arith.addf %scan3A_545, %get3A_583 : vector<16xf32>
        scf.yield %add3A_554, %add3A_564, %add3A_574, %add3A_584 : vector<16xf32>, vector<16xf32>, vector<16xf32>, vector<16xf32>
      }
      %scan3A_390 = arith.constant 32 : i32
      %add3A_391 = arith.addf %scan3A_389#0, %scan3A_389#1 : vector<16xf32>
      %add3A_392 = arith.addf %scan3A_389#2, %scan3A_389#3 : vector<16xf32>
      %add3A_393 = arith.addf %add3A_391, %add3A_392 : vector<16xf32>
      %swap3A_394 = arith.index_cast %add3A_360 : i32 to index
      %swap3A_395 = arith.constant 0 : index
      %swap3A_396 = tpu.vector_load %arg8[%swap3A_394, %swap3A_395] {strides = array<i32>} : memref<200x16xf32, #tpu.memory_space<vmem>>, vector<16xf32>,
      tpu.vector_store %arg8[%swap3A_394, %swap3A_395], %add3A_393 {strides = array<i32>} : memref<200x16xf32, #tpu.memory_space<vmem>>, vector<16xf32>,
      %lt3A_397 = arith.constant 200 : i32
      %lt3A_398 = arith.cmpi slt, %add3A_362, %lt3A_397 : i32
      %convert_element_type3A_399 = arith.extui %lt3A_398 : i1 to i32
      %cond3A_400 = arith.constant 4 : i32
      %cond3A_401 = arith.constant 0 : i32
      %cond3A_402 = arith.cmpi ne, %convert_element_type3A_399, %cond3A_401 : i32
      scf.if %cond3A_402 {
        %dma_start3A_541 = arith.constant 4 : i32
        %dma_start3A_542 = arith.constant 0 : i32
        %dma_start3A_543 = arith.constant 0 : i32
        %dma_start3A_544 = tpu.memref_slice %arg7[%cond3A_400, %dma_start3A_542, %dma_start3A_543] : memref<8x128x16xf32, #tpu.memory_space<vmem>> -> memref<1x128x16xf32, #tpu.memory_space<vmem>>
        %dma_start3A_545 = tpu.memref_squeeze %dma_start3A_544 : memref<1x128x16xf32, #tpu.memory_space<vmem>> -> memref<128x16xf32, #tpu.memory_space<vmem>>
        %dma_start3A_546 = arith.constant 0 : i32
        %dma_start3A_547 = tpu.memref_slice %arg6[%add3A_362, %dma_start3A_546] : memref<200x128xi32, #tpu.memory_space<vmem>> -> memref<1x128xi32, #tpu.memory_space<vmem>>
        %dma_start3A_548 = tpu.memref_squeeze %dma_start3A_547 : memref<1x128xi32, #tpu.memory_space<vmem>> -> memref<128xi32, #tpu.memory_space<vmem>>
        %dma_start3A_549 = arith.constant 0 : i32
        %dma_start3A_550 = arith.constant 0 : i32
        %dma_start3A_551 = tpu.memref_slice %arg2[%dma_start3A_549, %dma_start3A_550] : memref<100000x16xf32, #tpu.memory_space<hbm>> -> memref<100000x16xf32, #tpu.memory_space<hbm>>
        %dma_start3A_552 = tpu.memref_slice %arg9[%dma_start3A_541] : memref<8x!tpu.dma_semaphore, #tpu.memory_space<semaphore_mem>> -> memref<1x!tpu.dma_semaphore, #tpu.memory_space<semaphore_mem>>
        %dma_start3A_553 = tpu.memref_squeeze %dma_start3A_552 : memref<1x!tpu.dma_semaphore, #tpu.memory_space<semaphore_mem>> -> memref<!tpu.dma_semaphore, #tpu.memory_space<semaphore_mem>>
        tpu.enqueue_indirect_dma source(%dma_start3A_551 : memref<100000x16xf32, #tpu.memory_space<hbm>>) target(%dma_start3A_545 : memref<128x16xf32, #tpu.memory_space<vmem>>) offsets(%dma_start3A_548 : memref<128xi32, #tpu.memory_space<vmem>>) semaphore(%dma_start3A_553 : memref<!tpu.dma_semaphore, #tpu.memory_space<semaphore_mem>>)
      } else {
      }
      %mul3A_403 = arith.constant 8 : i32
      %mul3A_404 = arith.muli %scan3A_178, %mul3A_403 : i32
      %add3A_405 = arith.constant 5 : i32
      %add3A_406 = arith.addi %mul3A_404, %add3A_405 : i32
      %add3A_407 = arith.constant 8 : i32
      %add3A_408 = arith.addi %add3A_406, %add3A_407 : i32
      %lt3A_409 = arith.constant 200 : i32
      %lt3A_410 = arith.cmpi slt, %add3A_408, %lt3A_409 : i32
      %convert_element_type3A_411 = arith.extui %lt3A_410 : i1 to i32
      %cond3A_412 = arith.constant 0 : i32
      %cond3A_413 = arith.cmpi ne, %convert_element_type3A_411, %cond3A_412 : i32
      scf.if %cond3A_413 {
        %scan3A_541 = arith.constant 0 : i32
        %scan3A_542 = arith.constant 0 : i32
        %scan3A_543 = arith.constant 8 : i32
        %scan3A_544 = arith.addi %scan3A_542, %scan3A_543 : i32
        %scan3A_545 = arith.constant 1 : i32
        scf.for %scan3A_547 = %scan3A_542 to %scan3A_544 step %scan3A_545  : i32 {
          %mul3A_548 = arith.constant 16 : i32
          %mul3A_549 = arith.muli %scan3A_547, %mul3A_548 : i32
          %mul3A_550 = arith.constant 200 : i32
          %mul3A_551 = arith.muli %mul3A_549, %mul3A_550 : i32
          %add3A_552 = arith.addi %mul3A_551, %add3A_408 : i32
          %broadcast_in_dim3A_553 = vector.broadcast %add3A_552 : i32 to vector<16xi32>
          %add3A_554 = arith.addi %broadcast_in_dim3A_553, %mul3A_5 : vector<16xi32>
          %shift_right_arithmetic3A = arith.constant 7 : i32
          %shift_right_arithmetic3A_555 = vector.broadcast %shift_right_arithmetic3A : i32 to vector<16xi32>
          %shift_right_arithmetic3A_556 = arith.shrsi %add3A_554, %shift_right_arithmetic3A_555 : vector<16xi32>
          %and3A = arith.constant 127 : i32
          %and3A_557 = vector.broadcast %and3A : i32 to vector<16xi32>
          %and3A_558 = arith.andi %add3A_554, %and3A_557 : vector<16xi32>
          %gather3A = tpu.vector_load_idx %arg5[%shift_right_arithmetic3A_556, %and3A_558] : memref<200x128xi32, #tpu.memory_space<vmem>>[vector<16xi32>, vector<16xi32>], vector<16xi32>,
          %mul3A_559 = arith.constant 16 : i32
          %mul3A_560 = arith.muli %scan3A_547, %mul3A_559 : i32
          %swap3A_561 = arith.index_cast %add3A_408 : i32 to index
          %swap3A_562 = arith.index_cast %mul3A_560 : i32 to index
          %swap3A_563 = tpu.vector_load %arg6[%swap3A_561, %swap3A_562] {strides = array<i32>} : memref<200x128xi32, #tpu.memory_space<vmem>>, vector<16xi32>,
          tpu.vector_store %arg6[%swap3A_561, %swap3A_562], %gather3A {strides = array<i32>} : memref<200x128xi32, #tpu.memory_space<vmem>>, vector<16xi32>,
        }
        %scan3A_546 = arith.constant 8 : i32
      } else {
      }
      %dma_wait3A_414 = arith.constant 5 : i32
      %dma_wait3A_415 = arith.constant 5 : i32
      %dma_wait3A_416 = arith.constant 0 : i32
      %dma_wait3A_417 = arith.constant 0 : i32
      %dma_wait3A_418 = tpu.memref_slice %arg7[%dma_wait3A_414, %dma_wait3A_416, %dma_wait3A_417] : memref<8x128x16xf32, #tpu.memory_space<vmem>> -> memref<1x128x16xf32, #tpu.memory_space<vmem>>
      %dma_wait3A_419 = tpu.memref_squeeze %dma_wait3A_418 : memref<1x128x16xf32, #tpu.memory_space<vmem>> -> memref<128x16xf32, #tpu.memory_space<vmem>>
      %dma_wait3A_420 = arith.constant 0 : i32
      %dma_wait3A_421 = tpu.memref_slice %arg6[%add3A_406, %dma_wait3A_420] : memref<200x128xi32, #tpu.memory_space<vmem>> -> memref<1x128xi32, #tpu.memory_space<vmem>>
      %dma_wait3A_422 = tpu.memref_squeeze %dma_wait3A_421 : memref<1x128xi32, #tpu.memory_space<vmem>> -> memref<128xi32, #tpu.memory_space<vmem>>
      %dma_wait3A_423 = arith.constant 0 : i32
      %dma_wait3A_424 = arith.constant 0 : i32
      %dma_wait3A_425 = tpu.memref_slice %arg2[%dma_wait3A_423, %dma_wait3A_424] : memref<100000x16xf32, #tpu.memory_space<hbm>> -> memref<100000x16xf32, #tpu.memory_space<hbm>>
      %dma_wait3A_426 = tpu.memref_slice %arg9[%dma_wait3A_415] : memref<8x!tpu.dma_semaphore, #tpu.memory_space<semaphore_mem>> -> memref<1x!tpu.dma_semaphore, #tpu.memory_space<semaphore_mem>>
      %dma_wait3A_427 = tpu.memref_squeeze %dma_wait3A_426 : memref<1x!tpu.dma_semaphore, #tpu.memory_space<semaphore_mem>> -> memref<!tpu.dma_semaphore, #tpu.memory_space<semaphore_mem>>
      tpu.wait_indirect_dma semaphore(%dma_wait3A_427 : memref<!tpu.dma_semaphore, #tpu.memory_space<semaphore_mem>>) src(%dma_wait3A_425 : memref<100000x16xf32, #tpu.memory_space<hbm>>) dst(%dma_wait3A_419 : memref<128x16xf32, #tpu.memory_space<vmem>>)
      %broadcast_in_dim3A_428 = arith.constant 0.000000e+00 : f32
      %broadcast_in_dim3A_429 = vector.broadcast %broadcast_in_dim3A_428 : f32 to vector<16xf32>
      %scan3A_430 = arith.constant 5 : i32
      %scan3A_431 = arith.constant 0 : i32
      %scan3A_432 = arith.constant 32 : i32
      %scan3A_433 = arith.addi %scan3A_431, %scan3A_432 : i32
      %scan3A_434 = arith.constant 1 : i32
      %scan3A_435:4 = scf.for %scan3A_541 = %scan3A_431 to %scan3A_433 step %scan3A_434 iter_args(%scan3A_542 = %broadcast_in_dim3A_429, %scan3A_543 = %broadcast_in_dim3A_429, %scan3A_544 = %broadcast_in_dim3A_429, %scan3A_545 = %broadcast_in_dim3A_429) -> (vector<16xf32>, vector<16xf32>, vector<16xf32>, vector<16xf32>)  : i32 {
        %mul3A_546 = arith.constant 4 : i32
        %mul3A_547 = arith.muli %scan3A_541, %mul3A_546 : i32
        %get3A = arith.constant 0 : i32
        %get3A_548 = arith.constant 0 : i32
        %get3A_549 = tpu.memref_slice %arg7[%scan3A_430, %get3A, %get3A_548] : memref<8x128x16xf32, #tpu.memory_space<vmem>> -> memref<1x128x16xf32, #tpu.memory_space<vmem>>
        %get3A_550 = tpu.memref_squeeze %get3A_549 : memref<1x128x16xf32, #tpu.memory_space<vmem>> -> memref<128x16xf32, #tpu.memory_space<vmem>>
        %get3A_551 = arith.index_cast %mul3A_547 : i32 to index
        %get3A_552 = arith.constant 0 : index
        %get3A_553 = tpu.vector_load %get3A_550[%get3A_551, %get3A_552] {strides = array<i32>} : memref<128x16xf32, #tpu.memory_space<vmem>>, vector<16xf32>,
        %add3A_554 = arith.addf %scan3A_542, %get3A_553 : vector<16xf32>
        %add3A_555 = arith.constant 1 : i32
        %add3A_556 = arith.addi %mul3A_547, %add3A_555 : i32
        %get3A_557 = arith.constant 0 : i32
        %get3A_558 = arith.constant 0 : i32
        %get3A_559 = tpu.memref_slice %arg7[%scan3A_430, %get3A_557, %get3A_558] : memref<8x128x16xf32, #tpu.memory_space<vmem>> -> memref<1x128x16xf32, #tpu.memory_space<vmem>>
        %get3A_560 = tpu.memref_squeeze %get3A_559 : memref<1x128x16xf32, #tpu.memory_space<vmem>> -> memref<128x16xf32, #tpu.memory_space<vmem>>
        %get3A_561 = arith.index_cast %add3A_556 : i32 to index
        %get3A_562 = arith.constant 0 : index
        %get3A_563 = tpu.vector_load %get3A_560[%get3A_561, %get3A_562] {strides = array<i32>} : memref<128x16xf32, #tpu.memory_space<vmem>>, vector<16xf32>,
        %add3A_564 = arith.addf %scan3A_543, %get3A_563 : vector<16xf32>
        %add3A_565 = arith.constant 2 : i32
        %add3A_566 = arith.addi %mul3A_547, %add3A_565 : i32
        %get3A_567 = arith.constant 0 : i32
        %get3A_568 = arith.constant 0 : i32
        %get3A_569 = tpu.memref_slice %arg7[%scan3A_430, %get3A_567, %get3A_568] : memref<8x128x16xf32, #tpu.memory_space<vmem>> -> memref<1x128x16xf32, #tpu.memory_space<vmem>>
        %get3A_570 = tpu.memref_squeeze %get3A_569 : memref<1x128x16xf32, #tpu.memory_space<vmem>> -> memref<128x16xf32, #tpu.memory_space<vmem>>
        %get3A_571 = arith.index_cast %add3A_566 : i32 to index
        %get3A_572 = arith.constant 0 : index
        %get3A_573 = tpu.vector_load %get3A_570[%get3A_571, %get3A_572] {strides = array<i32>} : memref<128x16xf32, #tpu.memory_space<vmem>>, vector<16xf32>,
        %add3A_574 = arith.addf %scan3A_544, %get3A_573 : vector<16xf32>
        %add3A_575 = arith.constant 3 : i32
        %add3A_576 = arith.addi %mul3A_547, %add3A_575 : i32
        %get3A_577 = arith.constant 0 : i32
        %get3A_578 = arith.constant 0 : i32
        %get3A_579 = tpu.memref_slice %arg7[%scan3A_430, %get3A_577, %get3A_578] : memref<8x128x16xf32, #tpu.memory_space<vmem>> -> memref<1x128x16xf32, #tpu.memory_space<vmem>>
        %get3A_580 = tpu.memref_squeeze %get3A_579 : memref<1x128x16xf32, #tpu.memory_space<vmem>> -> memref<128x16xf32, #tpu.memory_space<vmem>>
        %get3A_581 = arith.index_cast %add3A_576 : i32 to index
        %get3A_582 = arith.constant 0 : index
        %get3A_583 = tpu.vector_load %get3A_580[%get3A_581, %get3A_582] {strides = array<i32>} : memref<128x16xf32, #tpu.memory_space<vmem>>, vector<16xf32>,
        %add3A_584 = arith.addf %scan3A_545, %get3A_583 : vector<16xf32>
        scf.yield %add3A_554, %add3A_564, %add3A_574, %add3A_584 : vector<16xf32>, vector<16xf32>, vector<16xf32>, vector<16xf32>
      }
      %scan3A_436 = arith.constant 32 : i32
      %add3A_437 = arith.addf %scan3A_435#0, %scan3A_435#1 : vector<16xf32>
      %add3A_438 = arith.addf %scan3A_435#2, %scan3A_435#3 : vector<16xf32>
      %add3A_439 = arith.addf %add3A_437, %add3A_438 : vector<16xf32>
      %swap3A_440 = arith.index_cast %add3A_406 : i32 to index
      %swap3A_441 = arith.constant 0 : index
      %swap3A_442 = tpu.vector_load %arg8[%swap3A_440, %swap3A_441] {strides = array<i32>} : memref<200x16xf32, #tpu.memory_space<vmem>>, vector<16xf32>,
      tpu.vector_store %arg8[%swap3A_440, %swap3A_441], %add3A_439 {strides = array<i32>} : memref<200x16xf32, #tpu.memory_space<vmem>>, vector<16xf32>,
      %lt3A_443 = arith.constant 200 : i32
      %lt3A_444 = arith.cmpi slt, %add3A_408, %lt3A_443 : i32
      %convert_element_type3A_445 = arith.extui %lt3A_444 : i1 to i32
      %cond3A_446 = arith.constant 5 : i32
      %cond3A_447 = arith.constant 0 : i32
      %cond3A_448 = arith.cmpi ne, %convert_element_type3A_445, %cond3A_447 : i32
      scf.if %cond3A_448 {
        %dma_start3A_541 = arith.constant 5 : i32
        %dma_start3A_542 = arith.constant 0 : i32
        %dma_start3A_543 = arith.constant 0 : i32
        %dma_start3A_544 = tpu.memref_slice %arg7[%cond3A_446, %dma_start3A_542, %dma_start3A_543] : memref<8x128x16xf32, #tpu.memory_space<vmem>> -> memref<1x128x16xf32, #tpu.memory_space<vmem>>
        %dma_start3A_545 = tpu.memref_squeeze %dma_start3A_544 : memref<1x128x16xf32, #tpu.memory_space<vmem>> -> memref<128x16xf32, #tpu.memory_space<vmem>>
        %dma_start3A_546 = arith.constant 0 : i32
        %dma_start3A_547 = tpu.memref_slice %arg6[%add3A_408, %dma_start3A_546] : memref<200x128xi32, #tpu.memory_space<vmem>> -> memref<1x128xi32, #tpu.memory_space<vmem>>
        %dma_start3A_548 = tpu.memref_squeeze %dma_start3A_547 : memref<1x128xi32, #tpu.memory_space<vmem>> -> memref<128xi32, #tpu.memory_space<vmem>>
        %dma_start3A_549 = arith.constant 0 : i32
        %dma_start3A_550 = arith.constant 0 : i32
        %dma_start3A_551 = tpu.memref_slice %arg2[%dma_start3A_549, %dma_start3A_550] : memref<100000x16xf32, #tpu.memory_space<hbm>> -> memref<100000x16xf32, #tpu.memory_space<hbm>>
        %dma_start3A_552 = tpu.memref_slice %arg9[%dma_start3A_541] : memref<8x!tpu.dma_semaphore, #tpu.memory_space<semaphore_mem>> -> memref<1x!tpu.dma_semaphore, #tpu.memory_space<semaphore_mem>>
        %dma_start3A_553 = tpu.memref_squeeze %dma_start3A_552 : memref<1x!tpu.dma_semaphore, #tpu.memory_space<semaphore_mem>> -> memref<!tpu.dma_semaphore, #tpu.memory_space<semaphore_mem>>
        tpu.enqueue_indirect_dma source(%dma_start3A_551 : memref<100000x16xf32, #tpu.memory_space<hbm>>) target(%dma_start3A_545 : memref<128x16xf32, #tpu.memory_space<vmem>>) offsets(%dma_start3A_548 : memref<128xi32, #tpu.memory_space<vmem>>) semaphore(%dma_start3A_553 : memref<!tpu.dma_semaphore, #tpu.memory_space<semaphore_mem>>)
      } else {
      }
      %mul3A_449 = arith.constant 8 : i32
      %mul3A_450 = arith.muli %scan3A_178, %mul3A_449 : i32
      %add3A_451 = arith.constant 6 : i32
      %add3A_452 = arith.addi %mul3A_450, %add3A_451 : i32
      %add3A_453 = arith.constant 8 : i32
      %add3A_454 = arith.addi %add3A_452, %add3A_453 : i32
      %lt3A_455 = arith.constant 200 : i32
      %lt3A_456 = arith.cmpi slt, %add3A_454, %lt3A_455 : i32
      %convert_element_type3A_457 = arith.extui %lt3A_456 : i1 to i32
      %cond3A_458 = arith.constant 0 : i32
      %cond3A_459 = arith.cmpi ne, %convert_element_type3A_457, %cond3A_458 : i32
      scf.if %cond3A_459 {
        %scan3A_541 = arith.constant 0 : i32
        %scan3A_542 = arith.constant 0 : i32
        %scan3A_543 = arith.constant 8 : i32
        %scan3A_544 = arith.addi %scan3A_542, %scan3A_543 : i32
        %scan3A_545 = arith.constant 1 : i32
        scf.for %scan3A_547 = %scan3A_542 to %scan3A_544 step %scan3A_545  : i32 {
          %mul3A_548 = arith.constant 16 : i32
          %mul3A_549 = arith.muli %scan3A_547, %mul3A_548 : i32
          %mul3A_550 = arith.constant 200 : i32
          %mul3A_551 = arith.muli %mul3A_549, %mul3A_550 : i32
          %add3A_552 = arith.addi %mul3A_551, %add3A_454 : i32
          %broadcast_in_dim3A_553 = vector.broadcast %add3A_552 : i32 to vector<16xi32>
          %add3A_554 = arith.addi %broadcast_in_dim3A_553, %mul3A_5 : vector<16xi32>
          %shift_right_arithmetic3A = arith.constant 7 : i32
          %shift_right_arithmetic3A_555 = vector.broadcast %shift_right_arithmetic3A : i32 to vector<16xi32>
          %shift_right_arithmetic3A_556 = arith.shrsi %add3A_554, %shift_right_arithmetic3A_555 : vector<16xi32>
          %and3A = arith.constant 127 : i32
          %and3A_557 = vector.broadcast %and3A : i32 to vector<16xi32>
          %and3A_558 = arith.andi %add3A_554, %and3A_557 : vector<16xi32>
          %gather3A = tpu.vector_load_idx %arg5[%shift_right_arithmetic3A_556, %and3A_558] : memref<200x128xi32, #tpu.memory_space<vmem>>[vector<16xi32>, vector<16xi32>], vector<16xi32>,
          %mul3A_559 = arith.constant 16 : i32
          %mul3A_560 = arith.muli %scan3A_547, %mul3A_559 : i32
          %swap3A_561 = arith.index_cast %add3A_454 : i32 to index
          %swap3A_562 = arith.index_cast %mul3A_560 : i32 to index
          %swap3A_563 = tpu.vector_load %arg6[%swap3A_561, %swap3A_562] {strides = array<i32>} : memref<200x128xi32, #tpu.memory_space<vmem>>, vector<16xi32>,
          tpu.vector_store %arg6[%swap3A_561, %swap3A_562], %gather3A {strides = array<i32>} : memref<200x128xi32, #tpu.memory_space<vmem>>, vector<16xi32>,
        }
        %scan3A_546 = arith.constant 8 : i32
      } else {
      }
      %dma_wait3A_460 = arith.constant 6 : i32
      %dma_wait3A_461 = arith.constant 6 : i32
      %dma_wait3A_462 = arith.constant 0 : i32
      %dma_wait3A_463 = arith.constant 0 : i32
      %dma_wait3A_464 = tpu.memref_slice %arg7[%dma_wait3A_460, %dma_wait3A_462, %dma_wait3A_463] : memref<8x128x16xf32, #tpu.memory_space<vmem>> -> memref<1x128x16xf32, #tpu.memory_space<vmem>>
      %dma_wait3A_465 = tpu.memref_squeeze %dma_wait3A_464 : memref<1x128x16xf32, #tpu.memory_space<vmem>> -> memref<128x16xf32, #tpu.memory_space<vmem>>
      %dma_wait3A_466 = arith.constant 0 : i32
      %dma_wait3A_467 = tpu.memref_slice %arg6[%add3A_452, %dma_wait3A_466] : memref<200x128xi32, #tpu.memory_space<vmem>> -> memref<1x128xi32, #tpu.memory_space<vmem>>
      %dma_wait3A_468 = tpu.memref_squeeze %dma_wait3A_467 : memref<1x128xi32, #tpu.memory_space<vmem>> -> memref<128xi32, #tpu.memory_space<vmem>>
      %dma_wait3A_469 = arith.constant 0 : i32
      %dma_wait3A_470 = arith.constant 0 : i32
      %dma_wait3A_471 = tpu.memref_slice %arg2[%dma_wait3A_469, %dma_wait3A_470] : memref<100000x16xf32, #tpu.memory_space<hbm>> -> memref<100000x16xf32, #tpu.memory_space<hbm>>
      %dma_wait3A_472 = tpu.memref_slice %arg9[%dma_wait3A_461] : memref<8x!tpu.dma_semaphore, #tpu.memory_space<semaphore_mem>> -> memref<1x!tpu.dma_semaphore, #tpu.memory_space<semaphore_mem>>
      %dma_wait3A_473 = tpu.memref_squeeze %dma_wait3A_472 : memref<1x!tpu.dma_semaphore, #tpu.memory_space<semaphore_mem>> -> memref<!tpu.dma_semaphore, #tpu.memory_space<semaphore_mem>>
      tpu.wait_indirect_dma semaphore(%dma_wait3A_473 : memref<!tpu.dma_semaphore, #tpu.memory_space<semaphore_mem>>) src(%dma_wait3A_471 : memref<100000x16xf32, #tpu.memory_space<hbm>>) dst(%dma_wait3A_465 : memref<128x16xf32, #tpu.memory_space<vmem>>)
      %broadcast_in_dim3A_474 = arith.constant 0.000000e+00 : f32
      %broadcast_in_dim3A_475 = vector.broadcast %broadcast_in_dim3A_474 : f32 to vector<16xf32>
      %scan3A_476 = arith.constant 6 : i32
      %scan3A_477 = arith.constant 0 : i32
      %scan3A_478 = arith.constant 32 : i32
      %scan3A_479 = arith.addi %scan3A_477, %scan3A_478 : i32
      %scan3A_480 = arith.constant 1 : i32
      %scan3A_481:4 = scf.for %scan3A_541 = %scan3A_477 to %scan3A_479 step %scan3A_480 iter_args(%scan3A_542 = %broadcast_in_dim3A_475, %scan3A_543 = %broadcast_in_dim3A_475, %scan3A_544 = %broadcast_in_dim3A_475, %scan3A_545 = %broadcast_in_dim3A_475) -> (vector<16xf32>, vector<16xf32>, vector<16xf32>, vector<16xf32>)  : i32 {
        %mul3A_546 = arith.constant 4 : i32
        %mul3A_547 = arith.muli %scan3A_541, %mul3A_546 : i32
        %get3A = arith.constant 0 : i32
        %get3A_548 = arith.constant 0 : i32
        %get3A_549 = tpu.memref_slice %arg7[%scan3A_476, %get3A, %get3A_548] : memref<8x128x16xf32, #tpu.memory_space<vmem>> -> memref<1x128x16xf32, #tpu.memory_space<vmem>>
        %get3A_550 = tpu.memref_squeeze %get3A_549 : memref<1x128x16xf32, #tpu.memory_space<vmem>> -> memref<128x16xf32, #tpu.memory_space<vmem>>
        %get3A_551 = arith.index_cast %mul3A_547 : i32 to index
        %get3A_552 = arith.constant 0 : index
        %get3A_553 = tpu.vector_load %get3A_550[%get3A_551, %get3A_552] {strides = array<i32>} : memref<128x16xf32, #tpu.memory_space<vmem>>, vector<16xf32>,
        %add3A_554 = arith.addf %scan3A_542, %get3A_553 : vector<16xf32>
        %add3A_555 = arith.constant 1 : i32
        %add3A_556 = arith.addi %mul3A_547, %add3A_555 : i32
        %get3A_557 = arith.constant 0 : i32
        %get3A_558 = arith.constant 0 : i32
        %get3A_559 = tpu.memref_slice %arg7[%scan3A_476, %get3A_557, %get3A_558] : memref<8x128x16xf32, #tpu.memory_space<vmem>> -> memref<1x128x16xf32, #tpu.memory_space<vmem>>
        %get3A_560 = tpu.memref_squeeze %get3A_559 : memref<1x128x16xf32, #tpu.memory_space<vmem>> -> memref<128x16xf32, #tpu.memory_space<vmem>>
        %get3A_561 = arith.index_cast %add3A_556 : i32 to index
        %get3A_562 = arith.constant 0 : index
        %get3A_563 = tpu.vector_load %get3A_560[%get3A_561, %get3A_562] {strides = array<i32>} : memref<128x16xf32, #tpu.memory_space<vmem>>, vector<16xf32>,
        %add3A_564 = arith.addf %scan3A_543, %get3A_563 : vector<16xf32>
        %add3A_565 = arith.constant 2 : i32
        %add3A_566 = arith.addi %mul3A_547, %add3A_565 : i32
        %get3A_567 = arith.constant 0 : i32
        %get3A_568 = arith.constant 0 : i32
        %get3A_569 = tpu.memref_slice %arg7[%scan3A_476, %get3A_567, %get3A_568] : memref<8x128x16xf32, #tpu.memory_space<vmem>> -> memref<1x128x16xf32, #tpu.memory_space<vmem>>
        %get3A_570 = tpu.memref_squeeze %get3A_569 : memref<1x128x16xf32, #tpu.memory_space<vmem>> -> memref<128x16xf32, #tpu.memory_space<vmem>>
        %get3A_571 = arith.index_cast %add3A_566 : i32 to index
        %get3A_572 = arith.constant 0 : index
        %get3A_573 = tpu.vector_load %get3A_570[%get3A_571, %get3A_572] {strides = array<i32>} : memref<128x16xf32, #tpu.memory_space<vmem>>, vector<16xf32>,
        %add3A_574 = arith.addf %scan3A_544, %get3A_573 : vector<16xf32>
        %add3A_575 = arith.constant 3 : i32
        %add3A_576 = arith.addi %mul3A_547, %add3A_575 : i32
        %get3A_577 = arith.constant 0 : i32
        %get3A_578 = arith.constant 0 : i32
        %get3A_579 = tpu.memref_slice %arg7[%scan3A_476, %get3A_577, %get3A_578] : memref<8x128x16xf32, #tpu.memory_space<vmem>> -> memref<1x128x16xf32, #tpu.memory_space<vmem>>
        %get3A_580 = tpu.memref_squeeze %get3A_579 : memref<1x128x16xf32, #tpu.memory_space<vmem>> -> memref<128x16xf32, #tpu.memory_space<vmem>>
        %get3A_581 = arith.index_cast %add3A_576 : i32 to index
        %get3A_582 = arith.constant 0 : index
        %get3A_583 = tpu.vector_load %get3A_580[%get3A_581, %get3A_582] {strides = array<i32>} : memref<128x16xf32, #tpu.memory_space<vmem>>, vector<16xf32>,
        %add3A_584 = arith.addf %scan3A_545, %get3A_583 : vector<16xf32>
        scf.yield %add3A_554, %add3A_564, %add3A_574, %add3A_584 : vector<16xf32>, vector<16xf32>, vector<16xf32>, vector<16xf32>
      }
      %scan3A_482 = arith.constant 32 : i32
      %add3A_483 = arith.addf %scan3A_481#0, %scan3A_481#1 : vector<16xf32>
      %add3A_484 = arith.addf %scan3A_481#2, %scan3A_481#3 : vector<16xf32>
      %add3A_485 = arith.addf %add3A_483, %add3A_484 : vector<16xf32>
      %swap3A_486 = arith.index_cast %add3A_452 : i32 to index
      %swap3A_487 = arith.constant 0 : index
      %swap3A_488 = tpu.vector_load %arg8[%swap3A_486, %swap3A_487] {strides = array<i32>} : memref<200x16xf32, #tpu.memory_space<vmem>>, vector<16xf32>,
      tpu.vector_store %arg8[%swap3A_486, %swap3A_487], %add3A_485 {strides = array<i32>} : memref<200x16xf32, #tpu.memory_space<vmem>>, vector<16xf32>,
      %lt3A_489 = arith.constant 200 : i32
      %lt3A_490 = arith.cmpi slt, %add3A_454, %lt3A_489 : i32
      %convert_element_type3A_491 = arith.extui %lt3A_490 : i1 to i32
      %cond3A_492 = arith.constant 6 : i32
      %cond3A_493 = arith.constant 0 : i32
      %cond3A_494 = arith.cmpi ne, %convert_element_type3A_491, %cond3A_493 : i32
      scf.if %cond3A_494 {
        %dma_start3A_541 = arith.constant 6 : i32
        %dma_start3A_542 = arith.constant 0 : i32
        %dma_start3A_543 = arith.constant 0 : i32
        %dma_start3A_544 = tpu.memref_slice %arg7[%cond3A_492, %dma_start3A_542, %dma_start3A_543] : memref<8x128x16xf32, #tpu.memory_space<vmem>> -> memref<1x128x16xf32, #tpu.memory_space<vmem>>
        %dma_start3A_545 = tpu.memref_squeeze %dma_start3A_544 : memref<1x128x16xf32, #tpu.memory_space<vmem>> -> memref<128x16xf32, #tpu.memory_space<vmem>>
        %dma_start3A_546 = arith.constant 0 : i32
        %dma_start3A_547 = tpu.memref_slice %arg6[%add3A_454, %dma_start3A_546] : memref<200x128xi32, #tpu.memory_space<vmem>> -> memref<1x128xi32, #tpu.memory_space<vmem>>
        %dma_start3A_548 = tpu.memref_squeeze %dma_start3A_547 : memref<1x128xi32, #tpu.memory_space<vmem>> -> memref<128xi32, #tpu.memory_space<vmem>>
        %dma_start3A_549 = arith.constant 0 : i32
        %dma_start3A_550 = arith.constant 0 : i32
        %dma_start3A_551 = tpu.memref_slice %arg2[%dma_start3A_549, %dma_start3A_550] : memref<100000x16xf32, #tpu.memory_space<hbm>> -> memref<100000x16xf32, #tpu.memory_space<hbm>>
        %dma_start3A_552 = tpu.memref_slice %arg9[%dma_start3A_541] : memref<8x!tpu.dma_semaphore, #tpu.memory_space<semaphore_mem>> -> memref<1x!tpu.dma_semaphore, #tpu.memory_space<semaphore_mem>>
        %dma_start3A_553 = tpu.memref_squeeze %dma_start3A_552 : memref<1x!tpu.dma_semaphore, #tpu.memory_space<semaphore_mem>> -> memref<!tpu.dma_semaphore, #tpu.memory_space<semaphore_mem>>
        tpu.enqueue_indirect_dma source(%dma_start3A_551 : memref<100000x16xf32, #tpu.memory_space<hbm>>) target(%dma_start3A_545 : memref<128x16xf32, #tpu.memory_space<vmem>>) offsets(%dma_start3A_548 : memref<128xi32, #tpu.memory_space<vmem>>) semaphore(%dma_start3A_553 : memref<!tpu.dma_semaphore, #tpu.memory_space<semaphore_mem>>)
      } else {
      }
      %mul3A_495 = arith.constant 8 : i32
      %mul3A_496 = arith.muli %scan3A_178, %mul3A_495 : i32
      %add3A_497 = arith.constant 7 : i32
      %add3A_498 = arith.addi %mul3A_496, %add3A_497 : i32
      %add3A_499 = arith.constant 8 : i32
      %add3A_500 = arith.addi %add3A_498, %add3A_499 : i32
      %lt3A_501 = arith.constant 200 : i32
      %lt3A_502 = arith.cmpi slt, %add3A_500, %lt3A_501 : i32
      %convert_element_type3A_503 = arith.extui %lt3A_502 : i1 to i32
      %cond3A_504 = arith.constant 0 : i32
      %cond3A_505 = arith.cmpi ne, %convert_element_type3A_503, %cond3A_504 : i32
      scf.if %cond3A_505 {
        %scan3A_541 = arith.constant 0 : i32
        %scan3A_542 = arith.constant 0 : i32
        %scan3A_543 = arith.constant 8 : i32
        %scan3A_544 = arith.addi %scan3A_542, %scan3A_543 : i32
        %scan3A_545 = arith.constant 1 : i32
        scf.for %scan3A_547 = %scan3A_542 to %scan3A_544 step %scan3A_545  : i32 {
          %mul3A_548 = arith.constant 16 : i32
          %mul3A_549 = arith.muli %scan3A_547, %mul3A_548 : i32
          %mul3A_550 = arith.constant 200 : i32
          %mul3A_551 = arith.muli %mul3A_549, %mul3A_550 : i32
          %add3A_552 = arith.addi %mul3A_551, %add3A_500 : i32
          %broadcast_in_dim3A_553 = vector.broadcast %add3A_552 : i32 to vector<16xi32>
          %add3A_554 = arith.addi %broadcast_in_dim3A_553, %mul3A_5 : vector<16xi32>
          %shift_right_arithmetic3A = arith.constant 7 : i32
          %shift_right_arithmetic3A_555 = vector.broadcast %shift_right_arithmetic3A : i32 to vector<16xi32>
          %shift_right_arithmetic3A_556 = arith.shrsi %add3A_554, %shift_right_arithmetic3A_555 : vector<16xi32>
          %and3A = arith.constant 127 : i32
          %and3A_557 = vector.broadcast %and3A : i32 to vector<16xi32>
          %and3A_558 = arith.andi %add3A_554, %and3A_557 : vector<16xi32>
          %gather3A = tpu.vector_load_idx %arg5[%shift_right_arithmetic3A_556, %and3A_558] : memref<200x128xi32, #tpu.memory_space<vmem>>[vector<16xi32>, vector<16xi32>], vector<16xi32>,
          %mul3A_559 = arith.constant 16 : i32
          %mul3A_560 = arith.muli %scan3A_547, %mul3A_559 : i32
          %swap3A_561 = arith.index_cast %add3A_500 : i32 to index
          %swap3A_562 = arith.index_cast %mul3A_560 : i32 to index
          %swap3A_563 = tpu.vector_load %arg6[%swap3A_561, %swap3A_562] {strides = array<i32>} : memref<200x128xi32, #tpu.memory_space<vmem>>, vector<16xi32>,
          tpu.vector_store %arg6[%swap3A_561, %swap3A_562], %gather3A {strides = array<i32>} : memref<200x128xi32, #tpu.memory_space<vmem>>, vector<16xi32>,
        }
        %scan3A_546 = arith.constant 8 : i32
      } else {
      }
      %dma_wait3A_506 = arith.constant 7 : i32
      %dma_wait3A_507 = arith.constant 7 : i32
      %dma_wait3A_508 = arith.constant 0 : i32
      %dma_wait3A_509 = arith.constant 0 : i32
      %dma_wait3A_510 = tpu.memref_slice %arg7[%dma_wait3A_506, %dma_wait3A_508, %dma_wait3A_509] : memref<8x128x16xf32, #tpu.memory_space<vmem>> -> memref<1x128x16xf32, #tpu.memory_space<vmem>>
      %dma_wait3A_511 = tpu.memref_squeeze %dma_wait3A_510 : memref<1x128x16xf32, #tpu.memory_space<vmem>> -> memref<128x16xf32, #tpu.memory_space<vmem>>
      %dma_wait3A_512 = arith.constant 0 : i32
      %dma_wait3A_513 = tpu.memref_slice %arg6[%add3A_498, %dma_wait3A_512] : memref<200x128xi32, #tpu.memory_space<vmem>> -> memref<1x128xi32, #tpu.memory_space<vmem>>
      %dma_wait3A_514 = tpu.memref_squeeze %dma_wait3A_513 : memref<1x128xi32, #tpu.memory_space<vmem>> -> memref<128xi32, #tpu.memory_space<vmem>>
      %dma_wait3A_515 = arith.constant 0 : i32
      %dma_wait3A_516 = arith.constant 0 : i32
      %dma_wait3A_517 = tpu.memref_slice %arg2[%dma_wait3A_515, %dma_wait3A_516] : memref<100000x16xf32, #tpu.memory_space<hbm>> -> memref<100000x16xf32, #tpu.memory_space<hbm>>
      %dma_wait3A_518 = tpu.memref_slice %arg9[%dma_wait3A_507] : memref<8x!tpu.dma_semaphore, #tpu.memory_space<semaphore_mem>> -> memref<1x!tpu.dma_semaphore, #tpu.memory_space<semaphore_mem>>
      %dma_wait3A_519 = tpu.memref_squeeze %dma_wait3A_518 : memref<1x!tpu.dma_semaphore, #tpu.memory_space<semaphore_mem>> -> memref<!tpu.dma_semaphore, #tpu.memory_space<semaphore_mem>>
      tpu.wait_indirect_dma semaphore(%dma_wait3A_519 : memref<!tpu.dma_semaphore, #tpu.memory_space<semaphore_mem>>) src(%dma_wait3A_517 : memref<100000x16xf32, #tpu.memory_space<hbm>>) dst(%dma_wait3A_511 : memref<128x16xf32, #tpu.memory_space<vmem>>)
      %broadcast_in_dim3A_520 = arith.constant 0.000000e+00 : f32
      %broadcast_in_dim3A_521 = vector.broadcast %broadcast_in_dim3A_520 : f32 to vector<16xf32>
      %scan3A_522 = arith.constant 7 : i32
      %scan3A_523 = arith.constant 0 : i32
      %scan3A_524 = arith.constant 32 : i32
      %scan3A_525 = arith.addi %scan3A_523, %scan3A_524 : i32
      %scan3A_526 = arith.constant 1 : i32
      %scan3A_527:4 = scf.for %scan3A_541 = %scan3A_523 to %scan3A_525 step %scan3A_526 iter_args(%scan3A_542 = %broadcast_in_dim3A_521, %scan3A_543 = %broadcast_in_dim3A_521, %scan3A_544 = %broadcast_in_dim3A_521, %scan3A_545 = %broadcast_in_dim3A_521) -> (vector<16xf32>, vector<16xf32>, vector<16xf32>, vector<16xf32>)  : i32 {
        %mul3A_546 = arith.constant 4 : i32
        %mul3A_547 = arith.muli %scan3A_541, %mul3A_546 : i32
        %get3A = arith.constant 0 : i32
        %get3A_548 = arith.constant 0 : i32
        %get3A_549 = tpu.memref_slice %arg7[%scan3A_522, %get3A, %get3A_548] : memref<8x128x16xf32, #tpu.memory_space<vmem>> -> memref<1x128x16xf32, #tpu.memory_space<vmem>>
        %get3A_550 = tpu.memref_squeeze %get3A_549 : memref<1x128x16xf32, #tpu.memory_space<vmem>> -> memref<128x16xf32, #tpu.memory_space<vmem>>
        %get3A_551 = arith.index_cast %mul3A_547 : i32 to index
        %get3A_552 = arith.constant 0 : index
        %get3A_553 = tpu.vector_load %get3A_550[%get3A_551, %get3A_552] {strides = array<i32>} : memref<128x16xf32, #tpu.memory_space<vmem>>, vector<16xf32>,
        %add3A_554 = arith.addf %scan3A_542, %get3A_553 : vector<16xf32>
        %add3A_555 = arith.constant 1 : i32
        %add3A_556 = arith.addi %mul3A_547, %add3A_555 : i32
        %get3A_557 = arith.constant 0 : i32
        %get3A_558 = arith.constant 0 : i32
        %get3A_559 = tpu.memref_slice %arg7[%scan3A_522, %get3A_557, %get3A_558] : memref<8x128x16xf32, #tpu.memory_space<vmem>> -> memref<1x128x16xf32, #tpu.memory_space<vmem>>
        %get3A_560 = tpu.memref_squeeze %get3A_559 : memref<1x128x16xf32, #tpu.memory_space<vmem>> -> memref<128x16xf32, #tpu.memory_space<vmem>>
        %get3A_561 = arith.index_cast %add3A_556 : i32 to index
        %get3A_562 = arith.constant 0 : index
        %get3A_563 = tpu.vector_load %get3A_560[%get3A_561, %get3A_562] {strides = array<i32>} : memref<128x16xf32, #tpu.memory_space<vmem>>, vector<16xf32>,
        %add3A_564 = arith.addf %scan3A_543, %get3A_563 : vector<16xf32>
        %add3A_565 = arith.constant 2 : i32
        %add3A_566 = arith.addi %mul3A_547, %add3A_565 : i32
        %get3A_567 = arith.constant 0 : i32
        %get3A_568 = arith.constant 0 : i32
        %get3A_569 = tpu.memref_slice %arg7[%scan3A_522, %get3A_567, %get3A_568] : memref<8x128x16xf32, #tpu.memory_space<vmem>> -> memref<1x128x16xf32, #tpu.memory_space<vmem>>
        %get3A_570 = tpu.memref_squeeze %get3A_569 : memref<1x128x16xf32, #tpu.memory_space<vmem>> -> memref<128x16xf32, #tpu.memory_space<vmem>>
        %get3A_571 = arith.index_cast %add3A_566 : i32 to index
        %get3A_572 = arith.constant 0 : index
        %get3A_573 = tpu.vector_load %get3A_570[%get3A_571, %get3A_572] {strides = array<i32>} : memref<128x16xf32, #tpu.memory_space<vmem>>, vector<16xf32>,
        %add3A_574 = arith.addf %scan3A_544, %get3A_573 : vector<16xf32>
        %add3A_575 = arith.constant 3 : i32
        %add3A_576 = arith.addi %mul3A_547, %add3A_575 : i32
        %get3A_577 = arith.constant 0 : i32
        %get3A_578 = arith.constant 0 : i32
        %get3A_579 = tpu.memref_slice %arg7[%scan3A_522, %get3A_577, %get3A_578] : memref<8x128x16xf32, #tpu.memory_space<vmem>> -> memref<1x128x16xf32, #tpu.memory_space<vmem>>
        %get3A_580 = tpu.memref_squeeze %get3A_579 : memref<1x128x16xf32, #tpu.memory_space<vmem>> -> memref<128x16xf32, #tpu.memory_space<vmem>>
        %get3A_581 = arith.index_cast %add3A_576 : i32 to index
        %get3A_582 = arith.constant 0 : index
        %get3A_583 = tpu.vector_load %get3A_580[%get3A_581, %get3A_582] {strides = array<i32>} : memref<128x16xf32, #tpu.memory_space<vmem>>, vector<16xf32>,
        %add3A_584 = arith.addf %scan3A_545, %get3A_583 : vector<16xf32>
        scf.yield %add3A_554, %add3A_564, %add3A_574, %add3A_584 : vector<16xf32>, vector<16xf32>, vector<16xf32>, vector<16xf32>
      }
      %scan3A_528 = arith.constant 32 : i32
      %add3A_529 = arith.addf %scan3A_527#0, %scan3A_527#1 : vector<16xf32>
      %add3A_530 = arith.addf %scan3A_527#2, %scan3A_527#3 : vector<16xf32>
      %add3A_531 = arith.addf %add3A_529, %add3A_530 : vector<16xf32>
      %swap3A_532 = arith.index_cast %add3A_498 : i32 to index
      %swap3A_533 = arith.constant 0 : index
      %swap3A_534 = tpu.vector_load %arg8[%swap3A_532, %swap3A_533] {strides = array<i32>} : memref<200x16xf32, #tpu.memory_space<vmem>>, vector<16xf32>,
      tpu.vector_store %arg8[%swap3A_532, %swap3A_533], %add3A_531 {strides = array<i32>} : memref<200x16xf32, #tpu.memory_space<vmem>>, vector<16xf32>,
      %lt3A_535 = arith.constant 200 : i32
      %lt3A_536 = arith.cmpi slt, %add3A_500, %lt3A_535 : i32
      %convert_element_type3A_537 = arith.extui %lt3A_536 : i1 to i32
      %cond3A_538 = arith.constant 7 : i32
      %cond3A_539 = arith.constant 0 : i32
      %cond3A_540 = arith.cmpi ne, %convert_element_type3A_537, %cond3A_539 : i32
      scf.if %cond3A_540 {
        %dma_start3A_541 = arith.constant 7 : i32
        %dma_start3A_542 = arith.constant 0 : i32
        %dma_start3A_543 = arith.constant 0 : i32
        %dma_start3A_544 = tpu.memref_slice %arg7[%cond3A_538, %dma_start3A_542, %dma_start3A_543] : memref<8x128x16xf32, #tpu.memory_space<vmem>> -> memref<1x128x16xf32, #tpu.memory_space<vmem>>
        %dma_start3A_545 = tpu.memref_squeeze %dma_start3A_544 : memref<1x128x16xf32, #tpu.memory_space<vmem>> -> memref<128x16xf32, #tpu.memory_space<vmem>>
        %dma_start3A_546 = arith.constant 0 : i32
        %dma_start3A_547 = tpu.memref_slice %arg6[%add3A_500, %dma_start3A_546] : memref<200x128xi32, #tpu.memory_space<vmem>> -> memref<1x128xi32, #tpu.memory_space<vmem>>
        %dma_start3A_548 = tpu.memref_squeeze %dma_start3A_547 : memref<1x128xi32, #tpu.memory_space<vmem>> -> memref<128xi32, #tpu.memory_space<vmem>>
        %dma_start3A_549 = arith.constant 0 : i32
        %dma_start3A_550 = arith.constant 0 : i32
        %dma_start3A_551 = tpu.memref_slice %arg2[%dma_start3A_549, %dma_start3A_550] : memref<100000x16xf32, #tpu.memory_space<hbm>> -> memref<100000x16xf32, #tpu.memory_space<hbm>>
        %dma_start3A_552 = tpu.memref_slice %arg9[%dma_start3A_541] : memref<8x!tpu.dma_semaphore, #tpu.memory_space<semaphore_mem>> -> memref<1x!tpu.dma_semaphore, #tpu.memory_space<semaphore_mem>>
        %dma_start3A_553 = tpu.memref_squeeze %dma_start3A_552 : memref<1x!tpu.dma_semaphore, #tpu.memory_space<semaphore_mem>> -> memref<!tpu.dma_semaphore, #tpu.memory_space<semaphore_mem>>
        tpu.enqueue_indirect_dma source(%dma_start3A_551 : memref<100000x16xf32, #tpu.memory_space<hbm>>) target(%dma_start3A_545 : memref<128x16xf32, #tpu.memory_space<vmem>>) offsets(%dma_start3A_548 : memref<128xi32, #tpu.memory_space<vmem>>) semaphore(%dma_start3A_553 : memref<!tpu.dma_semaphore, #tpu.memory_space<semaphore_mem>>)
      } else {
      }
    }
    %scan3A_177 = arith.constant 25 : i32
    "tpu.region"() ({
      %run_scoped3A = tpu.sem_alloc : memref<!tpu.dma_semaphore, #tpu.memory_space<semaphore_mem>>
      %dma_start3A_178 = arith.constant 0 : i32
      %dma_start3A_179 = arith.constant 0 : i32
      %dma_start3A_180 = tpu.memref_slice %arg4[%add3A, %dma_start3A_178, %dma_start3A_179] : memref<32x200x16xf32, #tpu.memory_space<hbm>> -> memref<1x200x16xf32, #tpu.memory_space<hbm>>
      %dma_start3A_181 = tpu.memref_squeeze %dma_start3A_180 : memref<1x200x16xf32, #tpu.memory_space<hbm>> -> memref<200x16xf32, #tpu.memory_space<hbm>>
      %dma_start3A_182 = arith.constant 0 : i32
      %dma_start3A_183 = arith.constant 0 : i32
      %dma_start3A_184 = tpu.memref_slice %arg4[%add3A, %dma_start3A_182, %dma_start3A_183] : memref<32x200x16xf32, #tpu.memory_space<hbm>> -> memref<1x200x16xf32, #tpu.memory_space<hbm>>
      %dma_start3A_185 = tpu.memref_squeeze %dma_start3A_184 : memref<1x200x16xf32, #tpu.memory_space<hbm>> -> memref<200x16xf32, #tpu.memory_space<hbm>>
      tpu.enqueue_dma source(%arg8 : memref<200x16xf32, #tpu.memory_space<vmem>>) target(%dma_start3A_185 : memref<200x16xf32, #tpu.memory_space<hbm>>) target_semaphore(%run_scoped3A : memref<!tpu.dma_semaphore, #tpu.memory_space<semaphore_mem>>)
      %dma_wait3A = arith.constant 0 : i32
      %dma_wait3A_186 = arith.constant 0 : i32
      %dma_wait3A_187 = tpu.memref_slice %arg4[%add3A, %dma_wait3A, %dma_wait3A_186] : memref<32x200x16xf32, #tpu.memory_space<hbm>> -> memref<1x200x16xf32, #tpu.memory_space<hbm>>
      %dma_wait3A_188 = tpu.memref_squeeze %dma_wait3A_187 : memref<1x200x16xf32, #tpu.memory_space<hbm>> -> memref<200x16xf32, #tpu.memory_space<hbm>>
      %dma_wait3A_189 = arith.constant 0 : i32
      %dma_wait3A_190 = arith.constant 0 : i32
      %dma_wait3A_191 = tpu.memref_slice %arg4[%add3A, %dma_wait3A_189, %dma_wait3A_190] : memref<32x200x16xf32, #tpu.memory_space<hbm>> -> memref<1x200x16xf32, #tpu.memory_space<hbm>>
      %dma_wait3A_192 = tpu.memref_squeeze %dma_wait3A_191 : memref<1x200x16xf32, #tpu.memory_space<hbm>> -> memref<200x16xf32, #tpu.memory_space<hbm>>
      tpu.wait_dma2 semaphore(%run_scoped3A : memref<!tpu.dma_semaphore, #tpu.memory_space<semaphore_mem>>) src(%arg8 : memref<200x16xf32, #tpu.memory_space<vmem>>) dst(%dma_wait3A_192 : memref<200x16xf32, #tpu.memory_space<hbm>>)
      tpu.yield
    }) : () -> ()
    return
  }
}

module attributes {stable_mosaic.version = 14 : i64} {
  func.func @_project_body(%arg0: i32, %arg1: memref<1568x8x128xf32, #tpu.memory_space<vmem>>, %arg2: memref<2x128xf32, #tpu.memory_space<vmem>>, %arg3: memref<1568x128xf32, #tpu.memory_space<vmem>>) attributes {dimension_semantics = [#tpu.dimension_semantics<arbitrary>], iteration_bounds = array<i64: 8>, scalar_prefetch = 0 : i64, scratch_operands = 0 : i64, tpu.core_type = #tpu.core_type<tc>, window_params = [{transform_indices = @transform_0, window_bounds = array<i64: 1568, 8, 128>}, {pipeline_mode = #tpu.pipeline_mode<synchronous>, transform_indices = @transform_1, window_bounds = array<i64: 2, 128>}, {transform_indices = @transform_2, window_bounds = array<i64: 1568, 128>}]} {
    %get3A = arith.constant 0 : index
    %get3A_0 = arith.constant 0 : index
    %get3A_1 = vector.load %arg2[%get3A, %get3A_0] : memref<2x128xf32, #tpu.memory_space<vmem>>, vector<2x128xf32>
    %broadcast_in_dim3A = arith.constant 0.000000e+00 : f32
    %broadcast_in_dim3A_2 = vector.broadcast %broadcast_in_dim3A : f32 to vector<14x128xf32>
    %concatenate3A = tpu.concatenate %get3A_1, %broadcast_in_dim3A_2 in 0 : vector<2x128xf32>, vector<14x128xf32> -> vector<16x128xf32>
    %get3A_3 = arith.constant 0 : index
    %get3A_4 = arith.constant 0 : index
    %get3A_5 = arith.constant 0 : index
    %get3A_6 = vector.load %arg1[%get3A_3, %get3A_4, %get3A_5] : memref<1568x8x128xf32, #tpu.memory_space<vmem>>, vector<1568x1x128xf32>
    %get3A_7 = vector.shape_cast %get3A_6 : vector<1568x1x128xf32> to vector<1568x128xf32>
    %dot_general3A = arith.constant dense<0.000000e+00> : vector<1568x16xf32>
    %dot_general3A_8 = tpu.matmul %get3A_7, %concatenate3A, %dot_general3A {dimension_numbers = #tpu.dot_dimension_numbers<[1], [1], [0], [0], [0, 0, 1, 0], [], []>, transpose_lhs_hint = false} : vector<1568x128xf32>, vector<16x128xf32>, vector<1568x16xf32> -> vector<1568x16xf32>
    %swap3A = arith.constant 0 : index
    %swap3A_9 = arith.constant 0 : index
    %swap3A_10 = vector.load %arg3[%swap3A, %swap3A_9] : memref<1568x128xf32, #tpu.memory_space<vmem>>, vector<1568x16xf32>
    tpu.vector_store %arg3[%swap3A, %swap3A_9], %dot_general3A_8 {strides = array<i32>} : memref<1568x128xf32, #tpu.memory_space<vmem>>, vector<1568x16xf32>,
    %get3A_11 = arith.constant 0 : index
    %get3A_12 = arith.constant 1 : index
    %get3A_13 = arith.constant 0 : index
    %get3A_14 = vector.load %arg1[%get3A_11, %get3A_12, %get3A_13] : memref<1568x8x128xf32, #tpu.memory_space<vmem>>, vector<1568x1x128xf32>
    %get3A_15 = vector.shape_cast %get3A_14 : vector<1568x1x128xf32> to vector<1568x128xf32>
    %dot_general3A_16 = arith.constant dense<0.000000e+00> : vector<1568x16xf32>
    %dot_general3A_17 = tpu.matmul %get3A_15, %concatenate3A, %dot_general3A_16 {dimension_numbers = #tpu.dot_dimension_numbers<[1], [1], [0], [0], [0, 0, 1, 0], [], []>, transpose_lhs_hint = false} : vector<1568x128xf32>, vector<16x128xf32>, vector<1568x16xf32> -> vector<1568x16xf32>
    %swap3A_18 = arith.constant 0 : index
    %swap3A_19 = arith.constant 16 : index
    %swap3A_20 = vector.load %arg3[%swap3A_18, %swap3A_19] : memref<1568x128xf32, #tpu.memory_space<vmem>>, vector<1568x16xf32>
    tpu.vector_store %arg3[%swap3A_18, %swap3A_19], %dot_general3A_17 {strides = array<i32>} : memref<1568x128xf32, #tpu.memory_space<vmem>>, vector<1568x16xf32>,
    %get3A_21 = arith.constant 0 : index
    %get3A_22 = arith.constant 2 : index
    %get3A_23 = arith.constant 0 : index
    %get3A_24 = vector.load %arg1[%get3A_21, %get3A_22, %get3A_23] : memref<1568x8x128xf32, #tpu.memory_space<vmem>>, vector<1568x1x128xf32>
    %get3A_25 = vector.shape_cast %get3A_24 : vector<1568x1x128xf32> to vector<1568x128xf32>
    %dot_general3A_26 = arith.constant dense<0.000000e+00> : vector<1568x16xf32>
    %dot_general3A_27 = tpu.matmul %get3A_25, %concatenate3A, %dot_general3A_26 {dimension_numbers = #tpu.dot_dimension_numbers<[1], [1], [0], [0], [0, 0, 1, 0], [], []>, transpose_lhs_hint = false} : vector<1568x128xf32>, vector<16x128xf32>, vector<1568x16xf32> -> vector<1568x16xf32>
    %swap3A_28 = arith.constant 0 : index
    %swap3A_29 = arith.constant 32 : index
    %swap3A_30 = vector.load %arg3[%swap3A_28, %swap3A_29] : memref<1568x128xf32, #tpu.memory_space<vmem>>, vector<1568x16xf32>
    tpu.vector_store %arg3[%swap3A_28, %swap3A_29], %dot_general3A_27 {strides = array<i32>} : memref<1568x128xf32, #tpu.memory_space<vmem>>, vector<1568x16xf32>,
    %get3A_31 = arith.constant 0 : index
    %get3A_32 = arith.constant 3 : index
    %get3A_33 = arith.constant 0 : index
    %get3A_34 = vector.load %arg1[%get3A_31, %get3A_32, %get3A_33] : memref<1568x8x128xf32, #tpu.memory_space<vmem>>, vector<1568x1x128xf32>
    %get3A_35 = vector.shape_cast %get3A_34 : vector<1568x1x128xf32> to vector<1568x128xf32>
    %dot_general3A_36 = arith.constant dense<0.000000e+00> : vector<1568x16xf32>
    %dot_general3A_37 = tpu.matmul %get3A_35, %concatenate3A, %dot_general3A_36 {dimension_numbers = #tpu.dot_dimension_numbers<[1], [1], [0], [0], [0, 0, 1, 0], [], []>, transpose_lhs_hint = false} : vector<1568x128xf32>, vector<16x128xf32>, vector<1568x16xf32> -> vector<1568x16xf32>
    %swap3A_38 = arith.constant 0 : index
    %swap3A_39 = arith.constant 48 : index
    %swap3A_40 = vector.load %arg3[%swap3A_38, %swap3A_39] : memref<1568x128xf32, #tpu.memory_space<vmem>>, vector<1568x16xf32>
    tpu.vector_store %arg3[%swap3A_38, %swap3A_39], %dot_general3A_37 {strides = array<i32>} : memref<1568x128xf32, #tpu.memory_space<vmem>>, vector<1568x16xf32>,
    %get3A_41 = arith.constant 0 : index
    %get3A_42 = arith.constant 4 : index
    %get3A_43 = arith.constant 0 : index
    %get3A_44 = vector.load %arg1[%get3A_41, %get3A_42, %get3A_43] : memref<1568x8x128xf32, #tpu.memory_space<vmem>>, vector<1568x1x128xf32>
    %get3A_45 = vector.shape_cast %get3A_44 : vector<1568x1x128xf32> to vector<1568x128xf32>
    %dot_general3A_46 = arith.constant dense<0.000000e+00> : vector<1568x16xf32>
    %dot_general3A_47 = tpu.matmul %get3A_45, %concatenate3A, %dot_general3A_46 {dimension_numbers = #tpu.dot_dimension_numbers<[1], [1], [0], [0], [0, 0, 1, 0], [], []>, transpose_lhs_hint = false} : vector<1568x128xf32>, vector<16x128xf32>, vector<1568x16xf32> -> vector<1568x16xf32>
    %swap3A_48 = arith.constant 0 : index
    %swap3A_49 = arith.constant 64 : index
    %swap3A_50 = vector.load %arg3[%swap3A_48, %swap3A_49] : memref<1568x128xf32, #tpu.memory_space<vmem>>, vector<1568x16xf32>
    tpu.vector_store %arg3[%swap3A_48, %swap3A_49], %dot_general3A_47 {strides = array<i32>} : memref<1568x128xf32, #tpu.memory_space<vmem>>, vector<1568x16xf32>,
    %get3A_51 = arith.constant 0 : index
    %get3A_52 = arith.constant 5 : index
    %get3A_53 = arith.constant 0 : index
    %get3A_54 = vector.load %arg1[%get3A_51, %get3A_52, %get3A_53] : memref<1568x8x128xf32, #tpu.memory_space<vmem>>, vector<1568x1x128xf32>
    %get3A_55 = vector.shape_cast %get3A_54 : vector<1568x1x128xf32> to vector<1568x128xf32>
    %dot_general3A_56 = arith.constant dense<0.000000e+00> : vector<1568x16xf32>
    %dot_general3A_57 = tpu.matmul %get3A_55, %concatenate3A, %dot_general3A_56 {dimension_numbers = #tpu.dot_dimension_numbers<[1], [1], [0], [0], [0, 0, 1, 0], [], []>, transpose_lhs_hint = false} : vector<1568x128xf32>, vector<16x128xf32>, vector<1568x16xf32> -> vector<1568x16xf32>
    %swap3A_58 = arith.constant 0 : index
    %swap3A_59 = arith.constant 80 : index
    %swap3A_60 = vector.load %arg3[%swap3A_58, %swap3A_59] : memref<1568x128xf32, #tpu.memory_space<vmem>>, vector<1568x16xf32>
    tpu.vector_store %arg3[%swap3A_58, %swap3A_59], %dot_general3A_57 {strides = array<i32>} : memref<1568x128xf32, #tpu.memory_space<vmem>>, vector<1568x16xf32>,
    %get3A_61 = arith.constant 0 : index
    %get3A_62 = arith.constant 6 : index
    %get3A_63 = arith.constant 0 : index
    %get3A_64 = vector.load %arg1[%get3A_61, %get3A_62, %get3A_63] : memref<1568x8x128xf32, #tpu.memory_space<vmem>>, vector<1568x1x128xf32>
    %get3A_65 = vector.shape_cast %get3A_64 : vector<1568x1x128xf32> to vector<1568x128xf32>
    %dot_general3A_66 = arith.constant dense<0.000000e+00> : vector<1568x16xf32>
    %dot_general3A_67 = tpu.matmul %get3A_65, %concatenate3A, %dot_general3A_66 {dimension_numbers = #tpu.dot_dimension_numbers<[1], [1], [0], [0], [0, 0, 1, 0], [], []>, transpose_lhs_hint = false} : vector<1568x128xf32>, vector<16x128xf32>, vector<1568x16xf32> -> vector<1568x16xf32>
    %swap3A_68 = arith.constant 0 : index
    %swap3A_69 = arith.constant 96 : index
    %swap3A_70 = vector.load %arg3[%swap3A_68, %swap3A_69] : memref<1568x128xf32, #tpu.memory_space<vmem>>, vector<1568x16xf32>
    tpu.vector_store %arg3[%swap3A_68, %swap3A_69], %dot_general3A_67 {strides = array<i32>} : memref<1568x128xf32, #tpu.memory_space<vmem>>, vector<1568x16xf32>,
    %get3A_71 = arith.constant 0 : index
    %get3A_72 = arith.constant 7 : index
    %get3A_73 = arith.constant 0 : index
    %get3A_74 = vector.load %arg1[%get3A_71, %get3A_72, %get3A_73] : memref<1568x8x128xf32, #tpu.memory_space<vmem>>, vector<1568x1x128xf32>
    %get3A_75 = vector.shape_cast %get3A_74 : vector<1568x1x128xf32> to vector<1568x128xf32>
    %dot_general3A_76 = arith.constant dense<0.000000e+00> : vector<1568x16xf32>
    %dot_general3A_77 = tpu.matmul %get3A_75, %concatenate3A, %dot_general3A_76 {dimension_numbers = #tpu.dot_dimension_numbers<[1], [1], [0], [0], [0, 0, 1, 0], [], []>, transpose_lhs_hint = false} : vector<1568x128xf32>, vector<16x128xf32>, vector<1568x16xf32> -> vector<1568x16xf32>
    %swap3A_78 = arith.constant 0 : index
    %swap3A_79 = arith.constant 112 : index
    %swap3A_80 = vector.load %arg3[%swap3A_78, %swap3A_79] : memref<1568x128xf32, #tpu.memory_space<vmem>>, vector<1568x16xf32>
    tpu.vector_store %arg3[%swap3A_78, %swap3A_79], %dot_general3A_77 {strides = array<i32>} : memref<1568x128xf32, #tpu.memory_space<vmem>>, vector<1568x16xf32>,
    return
  }
  func.func @transform_0(%arg0: i32) -> (i32, i32, i32) {
    %c0_i32 = arith.constant 0 : i32
    %c0_i32_0 = arith.constant 0 : i32
    %c0_i32_1 = arith.constant 0 : i32
    return %arg0, %c0_i32, %c0_i32_0 : i32, i32, i32
  }
  func.func @transform_1(%arg0: i32) -> (i32, i32) {
    %c0_i32 = arith.constant 0 : i32
    %c0_i32_0 = arith.constant 0 : i32
    %c0_i32_1 = arith.constant 0 : i32
    return %c0_i32, %c0_i32_0 : i32, i32
  }
  func.func @transform_2(%arg0: i32) -> (i32, i32) {
    %c0_i32 = arith.constant 0 : i32
    %c0_i32_0 = arith.constant 0 : i32
    return %arg0, %c0_i32 : i32, i32
  }
}

</mosaic_0001>

<sc_bundles>
// kernel: kernel.4.cloned.1.call-start
scs
__scs_entry_jumppad:
0x0: {  	(pc) =	sbr.rel $0x88, $3  }
0x1: {  	(tag) =	ssettag $0x0;
	lr =	simm.s32 $0x1  }
0x2: {  	[smem:$0x3F9D] =	sst lr;
	_ =	strace $0xD0000000  }
0x3: {  	_ = 	snop  }
0x4: {  	_ = 	snop  }
0x5: {  	_ = 	snop  }
0x6: {  	_ = 	snop  }
0x7: {  	_ = 	snop  }
__scs_overlays_trampoline_lowered:
0x8: {  	[smem:$0x3FAC] =	sst s0  }
0x9: {  	[smem:$0x3FAD] =	sst s1  }
0xa: {  	[smem:$0x3FAE] =	sst s2  }
0xb: {  	[smem:$0x3FAF] =	sst s3  }
0xc: {  	[smem:$0x3FB0] =	sst s4  }
0xd: {  	[smem:$0x3FB1] =	sst s5  }
0xe: {  	[smem:$0x3FB2] =	sst s6  }
0xf: {  	[smem:$0x3FB3] =	sst s7  }
0x10: {  	[smem:$0x3FB4] =	sst s8  }
0x11: {  	[smem:$0x3FB5] =	sst s9;
	s0 =	simm.s32 @!p0 $0x0  }
0x12: {  	s1 =	sld [smem:$0x3F9B];
	s0 =	simm.s32 @p0 $0x1  }
0x13: {  	[smem:$0x3FB6] =	sst s0;
	s0 =	simm.s32 @!p1 $0x0  }
0x14: {  	s2 =	sld [smem:$0x3F9A];
	s0 =	simm.s32 @p1 $0x1  }
0x15: {  	[smem:$0x3FB7] =	sst s0;
	s0 =	simm.s32 @!p2 $0x0  }
0x16: {  	s3 =	sld [smem:$0x3FDB];
	s0 =	simm.s32 @p2 $0x1  }
0x17: {  	s4 =	simm.s32 $0x1BF5;
	[smem:$0x3FB9] =	sst s0  }
0x18: {  	s0 =	sld [smem:$0x3F9C];
	_ =	swait.ge [sflag:s4], $0x0  }
0x19: {  	s7 =	sld [smem:$0x3F9D]  }
0x1a: {  	s8 =	sadd.s32 $0xFFFFE003, lr  }
0x1b: {  	s9 =	sadd.s32 $0xFFFFFEF7, lr;
	s5 =	simm.s32 $0xFFFFFFFF;
	p2 =	slt.u32 s8, $0xFFFFF086  }
0x1c: {  	p1 =	slt.u32 s9, $0xF7A;
	s5 =	simm.s32 @!p2 $0x0  }
0x1d: {  	s5 =	simm.s32 @p1 $0x1;
	p0 =	seq.s32 s7, s2  }
0x1e: {  	s7 =	smul.u32 @!p0 $0xF7A, s2;
	p2 =	seq.s32 @!p0 s5, $0x0  }
0x1f: {  	s9 =	smul.u32 $0xF7A, s1;
	s8 =	simm.s32 @!p0 $0x1BF5;
	p2 =	por !p2, p0  }
0x20: {  	[sflag:s8] =	ssyncset.s32 @!p0 $0xFFFFF086;
	s6 =	sadd.s32 @!p0 s3, s7;
	s7 =	simm.s32 @!p0 $0x108  }
0x21: {  	s3 =	sadd.s32 s3, s9;
	s6 =	sadd.s32 @!p0 $0x88, s6;
	s7 =	simm.s32 @p2 $0x1082  }
0x22: {  	[simem:s7], [sflag:s8] =	dma.local @!p0 [hbm:s6], $0xF7A  }
0x23: {  	s9 =	sor.u32 $0xD0000000, s2;
	s6 =	simm.s32 $0x108;
	_ =	swait.ge @!p0 [sflag:s8], $0x0  }
0x24: {  	s3 =	sadd.s32 $0x88, s3;
	s6 =	simm.s32 @!p1 $0x1082;
	[sflag:s4] =	ssyncset.s32 $0xFFFFF086  }
0x25: {  	[simem:s6], [sflag:s4] =	dma.local [hbm:s3], $0xF7A  }
0x26: {  	[smem:$0x3F9D] =	sst s1;
	(tag) =	ssettag s2;
	_ =	strace s9  }
0x27: {  	s1 =	sld [smem:$0x3FAD]  }
0x28: {  	s2 =	sld [smem:$0x3FAE]  }
0x29: {  	s4 =	sld [smem:$0x3FB0]  }
0x2a: {  	p0 =	seq.s32 s5, $0x0;
	s5 =	sld [smem:$0x3FB1]  }
0x2b: {  	s6 =	sld [smem:$0x3FB2]  }
0x2c: {  	s7 =	sld [smem:$0x3FB3]  }
0x2d: {  	s3 =	simm.s32 $0x108;
	s8 =	sld [smem:$0x3FB4]  }
0x2e: {  	s3 =	simm.s32 @!p0 $0x1082;
	s9 =	sld [smem:$0x3FB5]  }
0x2f: {  	lr =	sadd.s32 s0, s3;
	s0 =	sld [smem:$0x3FAC]  }
0x30: {  	s3 =	sld [smem:$0x3FAF]  }
0x31: {  	[smem:$0x3FB8] =	sst s10  }
0x32: {  	s10 =	sld [smem:$0x3FB6];
	_ =	sdelay $0x3  }
0x33: {  	p0 =	seq.s32 s10, $0x1;
	s10 =	sld [smem:$0x3FB8];
	_ =	sdelay $0x3  }
0x34: {  	[smem:$0x3FB8] =	sst s10  }
0x35: {  	s10 =	sld [smem:$0x3FB7];
	_ =	sdelay $0x3  }
0x36: {  	p1 =	seq.s32 s10, $0x1;
	s10 =	sld [smem:$0x3FB8];
	_ =	sdelay $0x3  }
0x37: {  	[smem:$0x3FB8] =	sst s10  }
0x38: {  	s10 =	sld [smem:$0x3FB9]  }
0x39: {  	_ = 	snop;
	(pc) =	sbr.ind lr, $3  }
0x3a: {  	_ = 	snop  }
0x3b: {  	_ = 	snop  }
0x3c: {  	p2 =	seq.s32 s10, $0x1;
	s10 =	sld [smem:$0x3FB8]  }
0x3d: {  	_ =	shalt  }
0x3e: {  	_ =	shalt  }
0x3f: {  	_ =	shalt  }
0x40: {  	_ =	shalt  }
0x41: {  	_ =	shalt  }
0x42: {  	_ =	shalt  }
0x43: {  	_ =	shalt  }
0x44: {  	_ =	shalt  }
0x45: {  	_ =	shalt  }
0x46: {  	_ =	shalt  }
0x47: {  	_ =	shalt  }
0x48: {  	_ =	shalt  }
0x49: {  	_ =	shalt  }
0x4a: {  	_ =	shalt  }
0x4b: {  	_ =	shalt  }
0x4c: {  	_ =	shalt  }
0x4d: {  	_ =	shalt  }
0x4e: {  	_ =	shalt  }
0x4f: {  	_ =	shalt  }
0x50: {  	_ =	shalt  }
0x51: {  	_ =	shalt  }
0x52: {  	_ =	shalt  }
0x53: {  	_ =	shalt  }
0x54: {  	_ =	shalt  }
0x55: {  	_ =	shalt  }
0x56: {  	_ =	shalt  }
0x57: {  	_ =	shalt  }
0x58: {  	_ =	shalt  }
0x59: {  	_ =	shalt  }
0x5a: {  	_ =	shalt  }
0x5b: {  	_ =	shalt  }
0x5c: {  	_ =	shalt  }
0x5d: {  	_ =	shalt  }
0x5e: {  	_ =	shalt  }
0x5f: {  	_ =	shalt  }
0x60: {  	_ =	shalt  }
0x61: {  	_ =	shalt  }
0x62: {  	_ =	shalt  }
0x63: {  	_ =	shalt  }
0x64: {  	_ =	shalt  }
0x65: {  	_ =	shalt  }
0x66: {  	_ =	shalt  }
0x67: {  	_ =	shalt  }
0x68: {  	_ =	shalt  }
0x69: {  	_ =	shalt  }
0x6a: {  	_ =	shalt  }
0x6b: {  	_ =	shalt  }
0x6c: {  	_ =	shalt  }
0x6d: {  	_ =	shalt  }
0x6e: {  	_ =	shalt  }
0x6f: {  	_ =	shalt  }
0x70: {  	_ =	shalt  }
0x71: {  	_ =	shalt  }
0x72: {  	_ =	shalt  }
0x73: {  	_ =	shalt  }
0x74: {  	_ =	shalt  }
0x75: {  	_ =	shalt  }
0x76: {  	_ =	shalt  }
0x77: {  	_ =	shalt  }
0x78: {  	_ =	shalt  }
0x79: {  	_ =	shalt  }
0x7a: {  	_ =	shalt  }
0x7b: {  	_ =	shalt  }
0x7c: {  	_ =	shalt  }
0x7d: {  	_ =	shalt  }
0x7e: {  	_ =	shalt  }
0x7f: {  	_ =	shalt  }
0x80: {  	_ =	shalt  }
0x81: {  	_ =	shalt  }
0x82: {  	_ =	shalt  }
0x83: {  	_ =	shalt  }
0x84: {  	_ =	shalt  }
0x85: {  	_ =	shalt  }
0x86: {  	_ =	shalt  }
0x87: {  	_ =	shalt  }
.Lfunc_end0:
.L_simem_size_0:
called_computation_lowered:
.L_overlay_start_0:
0x88: {  	s2 =	sld [smem:$0x3FD9]  }
0x89: {  	s3 =	sld [smem:$0x3FFE];
	_ =	sdelay $0x1  }
0x8a: {  	s1 =	srdreg.scid  }
0x8b: {  	s0 =	sand.u32 $0x1, s1  }
0x8c: {  	s16 =	sshll.u32 s0, $0xA;
	s2 =	sadd.s32 s3, s2  }
0x8d: {  	s2 =	sadd.s32 s2, s16  }
0x8e: {  	[smem:$0x3FC4] =	sst s2  }
0x8f: {  	_ = 	snop  }
0x90: {  	(tm) =	ssettm $0x1  }
0x91: {  	s17 =	sld [smem:$0x3FFB];
	_ =	sdelay $0x3  }
0x92: {  	_ =	strace s17  }
0x93: {  	s2 =	sld [smem:$0x3FFC];
	_ =	sdelay $0x3  }
0x94: {  	_ =	strace s2  }
0x95: {  	s2 =	sld [smem:$0x3FFD];
	_ =	sdelay $0x3  }
0x96: {  	_ =	strace s2  }
0x97: {  	_ =	strace $0x8FFFFFFF  }
0x98: {  	s18 =	sld [smem:$0x3FDB];
	_ =	sdelay $0x1  }
0x99: {  	s19 =	simm.s32 $_scs_section_size  }
0x9a: {  	s4 =	simm.s32 $_size__tile_overlayer_lowered;
	s5 =	simm.s32 $_tile_overlayer_lowered  }
0x9b: {  	s22 =	simm.s32 $0x1BFF;
	s21 =	sshll.u32 s5, $0x1;
	s2 =	sadd.s32 s19, s18  }
0x9c: {  	s6 =	simm.s32 $0x0;
	s20 =	sshll.u32 s4, $0x1;
	s4 =	sadd.s32 s21, s2  }
0x9d: {  	[timem:s6], [sflag:s22] =	dma.local [hbm:s4], s20  }
0x9e: {  	_ =	swait.ge [sflag:s22], s20  }
0x9f: {  	s3 =	ssub.s32 $0x0, s20;
	[sflag:s22] =	ssyncset.done $0x0  }
0xa0: {  	[sflag:s22] =	ssyncadd.s32 s3;
	_ =	sdelay $0x1  }
0xa1: {  	s23 =	simm.s32 $0x1B8B  }
0xa2: {  	_ =	swait.ge [sflag:s23], $0x1  }
0xa3: {  	[sflag:s23] =	ssyncset.done $0x0  }
0xa4: {  	s25 =	simm.s32 $0x1B8E;
	s24 =	sld [smem:$0x3FFE];
	[sflag:s23] =	ssyncadd.s32 $0xFFFFFFFF  }
0xa5: {  	s26 =	simm.s32 $execute0_lowered;
	[smem:$0x3FD2] =	sst s25  }
0xa6: {  	s4 =	sshll.u32 s26, $0x1;
	_ =	strace $0x80000046;
	[dreg:$0x1] =	wrdreg $0xFFFFFFFF  }
0xa7: {  	s28 =	simm.s32 $_size_execute0_lowered;
	s2 =	sadd.s32 s2, s4;
	[dreg:$0x0] =	wrdreg $0x0  }
0xa8: {  	s4 =	sshll.u32 s28, $0x1;
	[dreg:$0x2] =	wrdreg s2  }
0xa9: {  	[dreg:$0x3] =	wrdreg s4  }
0xaa: {  	[dreg:$0x4] =	wrdreg $0xC0  }
0xab: {  	_ =	task [dreg:s6], $0x5FFFF  }
0xac: {  	[dreg:$0x1] =	wrdreg $0xFFFFFFFF  }
0xad: {  	[dreg:$0x0] =	wrdreg $0x60  }
0xae: {  	[dreg:$0x2] =	wrdreg s24  }
0xaf: {  	[dreg:$0x3] =	wrdreg $0x9  }
0xb0: {  	_ =	task.clear_ibuf [dreg:s6], $0x4FFFF;
	_ =	strace $0x90000046  }
0xb1: {  	s29 =	simm.s32 $0x9;
	_ =	strace $0x80000048  }
0xb2: {  	_ =	swait.ge [sflag:s29], $0x1  }
0xb3: {  	[sflag:s29] =	ssyncadd.s32 $0xFFFFFFFF  }
0xb4: {  	_ =	strace $0x90000048  }
0xb5: {  	_ =	sfence  }
0xb6: {  	s30 =	sld [smem:$0x0];
	_ =	sdelay $0x2  }
0xb7: {  	s31 =	sshll.u32 s1, $0xD;
	s1 =	sshrl.u32 s1, $0x2  }
0xb8: {  	s3 =	sand.u32 $0x4000, s31;
	s1 =	sadd.s32 s1, s30  }
0xb9: {  	s0 =	sor.u32 s3, s0;
	s1 =	sshll.u32 s1, $0x11  }
0xba: {  	s0 =	sor.u32 s1, s0  }
0xbb: {  	s0 =	sadd.s32 $0x8F2B, s0  }
0xbc: {  	[sflag:s0] =	ssyncadd.remote.s32 $0x1  }
0xbd: {  	_ =	sfence.sel $0xFFFF  }
0xbe: {  	[dreg:$0x0] =	wrdreg $0xFFFFFFFF;
	(pc) =	sbr.abs _section_cstart, $3  }
0xbf: {  	[dreg:$0x1] =	wrdreg $0xFFFFFFFF  }
0xc0: {  	_ =	task.clear_ibuf [dreg:s6], $0x2FFFF;
	_ =	strace $0x9FFFFFFF  }
0xc1: {  	(tm) =	ssettm $0x7FFFFFFF  }
tec
execute0_lowered:
.L_overlay_start_1:
0x0: {  	(tag) =	ssettag $0x1  }
0x1: {  	v0 =	vimm.s32 $0x18500840;
	v1 =	vlaneseq.u32;
	v3 =	vimm.s32 $0x58104800  }
0x2: {  	v4 =	vimm.s32 $0x78306820;
	v2 =	vunpack.c.0.s8.s32 v0;
	v0 =	vimm.s32 $0x38702860  }
0x3: {  	v3 =	vunpack.c.0.s8.s32 v3;
	v4 =	vunpack.c.0.s8.s32 v4;
	v5 =	vunpack.c.0.s8.s32 v0  }
0x4: {  	vm0 =	vcmask $0x1F10;
	v0 =	vmul.u32 $0xC8, v1  }
0x5: {  	v1 =	vsel vm0, v5, v2;
	v2 =	vsel vm0, v4, v3  }
0x6: {  	v4 =	vadd.s32 $0x1901, v0;
	v5 =	vadd.s32 $0x2581, v0;
	v6 =	vadd.s32 $0x3201, v0  }
0x7: {  	v7 =	vadd.s32 $0x3E81, v0;
	v8 =	vadd.s32 $0x4B01, v0;
	v9 =	vadd.s32 $0x5781, v0  }
0x8: {  	v10 =	vor.u32 $0x2, v0;
	v11 =	vadd.s32 $0xC82, v0;
	v12 =	vadd.s32 $0x1902, v0  }
0x9: {  	v13 =	vadd.s32 $0x2582, v0;
	v14 =	vadd.s32 $0x3202, v0;
	v15 =	vadd.s32 $0x3E82, v0  }
0xa: {  	v16 =	vadd.s32 $0x4B02, v0;
	v17 =	vadd.s32 $0x5782, v0;
	v18 =	vor.u32 $0x3, v0  }
0xb: {  	s0 =	srdreg.scid;
	v19 =	vadd.s32 $0xC83, v0;
	v20 =	vadd.s32 $0x1903, v0;
	v21 =	vadd.s32 $0x2583, v0  }
0xc: {  	s1 =	rddreg [dreg:$0x0];
	s4 =	stileid.u32;
	s2 =	simm.s32 $0x0;
	v22 =	vadd.s32 $0x3203, v0;
	v23 =	vadd.s32 $0x3E83, v0;
	v24 =	vadd.s32 $0x4B03, v0  }
0xd: {  	s7 =	simm.s32 $0x9;
	s8 =	simm.s32 $0x80;
	s9 =	simm.s32 $0x6400;
	v25 =	vadd.s32 $0x5783, v0;
	v26 =	vor.u32 $0x4, v0;
	v27 =	vadd.s32 $0xC84, v0  }
0xe: {  	s19 =	simm.s32 $0x6680;
	s20 =	simm.s32 $0xF000;
	s21 =	simm.s32 $0x6700;
	v28 =	vadd.s32 $0x1904, v0;
	v29 =	vadd.s32 $0x2584, v0;
	v30 =	vadd.s32 $0x3204, v0  }
0xf: {  	s22 =	simm.s32 $0xF800;
	s23 =	simm.s32 $0x6780;
	s24 =	simm.s32 $0x10000;
	v31 =	vadd.s32 $0x3E84, v0;
	v32 =	vadd.s32 $0x4B04, v0;
	v33 =	vadd.s32 $0x5784, v0  }
0x10: {  	s25 =	simm.s32 $0x1;
	s26 =	simm.s32 $0x2;
	s0 =	sand.u32 $0x1, s0;
	v34 =	vor.u32 $0x5, v0;
	v35 =	vadd.s32 $0xC85, v0;
	v36 =	vadd.s32 $0x1905, v0  }
0x11: {  	s28 =	simm.s32 $0x3;
	s29 =	simm.s32 $0x4;
	s3 =	sshll.u32 s0, $0x4;
	v37 =	vadd.s32 $0x2585, v0;
	v38 =	vadd.s32 $0x3205, v0;
	v39 =	vadd.s32 $0x3E85, v0  }
0x12: {  	s30 =	simm.s32 $0x5;
	s31 =	simm.s32 $0x6;
	s3 =	sor.u32 s4, s3;
	v40 =	vadd.s32 $0x4B05, v0;
	v41 =	vadd.s32 $0x5785, v0;
	v42 =	vor.u32 $0x6, v0  }
0x13: {  	s10 =	simm.s32 $0x10800;
	s0 =	ssub.s32 $0x2, s0;
	s4 =	smul.u32 $0xC80, s3;
	v43 =	vadd.s32 $0xC86, v0;
	v44 =	vadd.s32 $0x1906, v0;
	v45 =	vadd.s32 $0x2586, v0  }
.Ltmp0:
0x14: {  	s11 =	simm.s32 $0x0;
	s6 =	sshrl.u32 s0, $0x1;
	v46 =	vadd.s32 $0x3206, v0;
	v47 =	vadd.s32 $0x3E86, v0;
	v48 =	vadd.s32 $0x4B06, v0;
	(pc) =	sbr.rel .LBB2_1-.Ltmp0, $4  }
0x15: {  	[smem:$0x7FF] =	sst s2;
	s5 =	smul.u32 $0x190, s3;
	s0 =	ssub.s32 s0, s6;
	v49 =	vadd.s32 $0x5786, v0;
	v1 =	vcombine.low v2, v1;
	v2 =	vor.u32 $0x1, v0  }
0x16: {  	s3 =	sadd.s32 $0x19600, s1;
	v50 =	vor.u32 $0x7, v0;
	v51 =	vadd.s32 $0xC87, v0;
	s6 =	smax.u32 s0, $0x1;
	[tilespmem:$0x1FFE0] =	vst v2;
	v2 =	vadd.s32 $0xC81, v0;
	s4 =	sadd.s32 s4, s1  }
0x17: {  	v52 =	vadd.s32 $0x1907, v0;
	v53 =	vadd.s32 $0x2587, v0;
	v54 =	vadd.s32 $0x3207, v0;
	s0 =	simm.s32 $0x8;
	s1 =	sadd.s32 s5, s1;
	[tilespmem:$0x1FFF0] =	vst v2;
	s4 =	sadd.s32 $0x600, s4  }
0x18: {  	v55 =	vadd.s32 $0x3E87, v0;
	v56 =	vadd.s32 $0x4B07, v0;
	v57 =	vadd.s32 $0x5787, v0;
	s5 =	sadd.s32 $0x4A400, s1;
	s1 =	simm.s32 $0x7;
	_ =	strace $0x80000047  }
.LBB2_22:
0x19: {  	s11 =	sadd.s32 $0x1, s11  }
0x1a: {  	p0 =	sne.s32 s11, s6  }
.Ltmp1:
0x1b: {  	_ = 	snop;
	(pc) =	sbr.rel @!p0 .LBB2_23-.Ltmp1, $4  }
0x1c: {  	[hbm4b:s5+s2] =	stream.linear.scatter [tilespmem:s10], [sflag:$0x9], $0xC80, $0x38;
	[tilespmem:$0x11480] =	vst v63  }
0x1d: {  	_ =	swait.ge [sflag:s7], $0xC80  }
0x1e: {  	[sflag:s7] =	ssyncset.done $0x0  }
0x1f: {  	[sflag:s7] =	ssyncadd.s32 $0xFFFFF380  }
.LBB2_1:
0x20: {  	v2 =	vadd.s32 s2, v0  }
0x21: {  	v2 =	vand.u32 $0xFF80, v2  }
0x22: {  	v2 =	vor.u32 v1, v2  }
0x23: {  	[tilespmem:s2], [sflag:$0x9] =	stream.linear.gather [hbm4b:s4+s2], $0x6400, $0x38;
	[tilespmem:$0x11480] =	vst v63  }
0x24: {  	_ =	swait.ge [sflag:s7], $0x6400  }
0x25: {  	s12 =	simm.s32 $0xC80;
	[sflag:s7] =	ssyncset.done $0x0  }
0x26: {  	v3 =	vadd.s32 s12, v0;
	[sflag:s7] =	ssyncadd.s32 $0xFFFF9C00  }
0x27: {  	v3 =	vand.u32 $0xFF80, v3;
	v2 =	vld.idx.msk [tilespmem:v2+s2+$0x0], $0xffff  }
0x28: {  	v58 =	vor.u32 v1, v3;
	_ =	sdelay $0x3  }
0x29: {  	s18 =	simm.s32 $0x1900;
	[tilespmem:s9+$0x0] =	vst v2  }
0x2a: {  	s13 =	simm.s32 $0x2580;
	s12 =	simm.s32 $0x6400;
	v3 =	vadd.s32 s18, v0;
	v2 =	vld.idx.msk [tilespmem:v58+s2+$0x0], $0xffff  }
.LBB2_2:
0x2b: {  	p0 =	sne.s32 s13, $0x5780;
	v3 =	vand.u32 $0xFF80, v3  }
0x2c: {  	v58 =	vor.u32 v1, v3  }
.Ltmp2:
0x2d: {  	(pc) =	sbr.rel @p0 .LBB2_2-.Ltmp2, $4  }
0x2e: {  	_ = 	snop  }
0x2f: {  	s12 =	sadd.s32 $0x10, s12  }
0x30: {  	[tilespmem:s12+$0x0] =	vst v2  }
0x31: {  	v3 =	vadd.s32 s13, v0;
	s13 =	sadd.s32 $0xC80, s13;
	v2 =	vld.idx.msk [tilespmem:v58+s2+$0x0], $0xffff  }
0x32: {  	v3 =	vand.u32 $0xFF80, v3  }
0x33: {  	v3 =	vor.u32 v1, v3;
	_ =	sdelay $0x2  }
0x34: {  	s12 =	sadd.s32 $0x10, s12  }
0x35: {  	[tilespmem:s12+$0x0] =	vst v2  }
0x36: {  	v2 =	vld.idx.msk [tilespmem:v3+s2+$0x0], $0xffff;
	_ =	sdelay $0x3  }
0x37: {  	s12 =	sadd.s32 $0x10, s12  }
0x38: {  	[tilespmem:s12+$0x0] =	vst v2;
	v2 =	vld [tilespmem:$0x1FFE0];
	_ =	sdelay $0x5  }
0x39: {  	s16 =	simm.s32 $0xC800;
	s12 =	simm.s32 $0x0  }
0x3a: {  	[tilespmem:s16], [sflag:$0x1] =	stream.indirect.gather [hbm4b:s3+s8], $0x10, s9, s8, $0xb8;
	[tilespmem:$0x11480] =	vst v63  }
0x3b: {  	v2 =	vld.idx.msk [tilespmem:v2+s12+$0x0], $0xffff;
	_ =	sdelay $0x4  }
0x3c: {  	[tilespmem:$0x6480] =	vst v2;
	v2 =	vld [tilespmem:$0x1FFF0];
	_ =	sdelay $0x7  }
0x3d: {  	v2 =	vld.idx.msk [tilespmem:v2+s12+$0x0], $0xffff;
	_ =	sdelay $0x4  }
0x3e: {  	[tilespmem:$0x6490] =	vst v2  }
0x3f: {  	v2 =	vld.idx.msk [tilespmem:v4+s12+$0x0], $0xffff;
	_ =	sdelay $0x4  }
0x40: {  	[tilespmem:$0x64A0] =	vst v2  }
0x41: {  	v2 =	vld.idx.msk [tilespmem:v5+s12+$0x0], $0xffff;
	_ =	sdelay $0x4  }
0x42: {  	[tilespmem:$0x64B0] =	vst v2  }
0x43: {  	v2 =	vld.idx.msk [tilespmem:v6+s12+$0x0], $0xffff;
	_ =	sdelay $0x4  }
0x44: {  	[tilespmem:$0x64C0] =	vst v2  }
0x45: {  	v2 =	vld.idx.msk [tilespmem:v7+s12+$0x0], $0xffff;
	_ =	sdelay $0x4  }
0x46: {  	[tilespmem:$0x64D0] =	vst v2  }
0x47: {  	v2 =	vld.idx.msk [tilespmem:v8+s12+$0x0], $0xffff;
	_ =	sdelay $0x4  }
0x48: {  	[tilespmem:$0x64E0] =	vst v2  }
0x49: {  	v2 =	vld.idx.msk [tilespmem:v9+s12+$0x0], $0xffff;
	_ =	sdelay $0x4  }
0x4a: {  	s13 =	simm.s32 $0x6480;
	s14 =	simm.s32 $0xD000;
	[tilespmem:$0x64F0] =	vst v2  }
0x4b: {  	[tilespmem:s14], [sflag:$0x2] =	stream.indirect.gather [hbm4b:s3+s8], $0x10, s13, s8, $0xb8;
	[tilespmem:$0x11480] =	vst v63  }
0x4c: {  	v2 =	vld.idx.msk [tilespmem:v10+s12+$0x0], $0xffff;
	_ =	sdelay $0x4  }
0x4d: {  	[tilespmem:$0x6500] =	vst v2  }
0x4e: {  	v2 =	vld.idx.msk [tilespmem:v11+s12+$0x0], $0xffff;
	_ =	sdelay $0x4  }
0x4f: {  	[tilespmem:$0x6510] =	vst v2  }
0x50: {  	v2 =	vld.idx.msk [tilespmem:v12+s12+$0x0], $0xffff;
	_ =	sdelay $0x4  }
0x51: {  	[tilespmem:$0x6520] =	vst v2  }
0x52: {  	v2 =	vld.idx.msk [tilespmem:v13+s12+$0x0], $0xffff;
	_ =	sdelay $0x4  }
0x53: {  	[tilespmem:$0x6530] =	vst v2  }
0x54: {  	v2 =	vld.idx.msk [tilespmem:v14+s12+$0x0], $0xffff;
	_ =	sdelay $0x4  }
0x55: {  	[tilespmem:$0x6540] =	vst v2  }
0x56: {  	v2 =	vld.idx.msk [tilespmem:v15+s12+$0x0], $0xffff;
	_ =	sdelay $0x4  }
0x57: {  	[tilespmem:$0x6550] =	vst v2  }
0x58: {  	v2 =	vld.idx.msk [tilespmem:v16+s12+$0x0], $0xffff;
	_ =	sdelay $0x4  }
0x59: {  	[tilespmem:$0x6560] =	vst v2  }
0x5a: {  	v2 =	vld.idx.msk [tilespmem:v17+s12+$0x0], $0xffff;
	_ =	sdelay $0x4  }
0x5b: {  	s17 =	simm.s32 $0x6500;
	s18 =	simm.s32 $0xD800;
	[tilespmem:$0x6570] =	vst v2  }
0x5c: {  	[tilespmem:s18], [sflag:$0x3] =	stream.indirect.gather [hbm4b:s3+s8], $0x10, s17, s8, $0xb8;
	[tilespmem:$0x11480] =	vst v63  }
0x5d: {  	v2 =	vld.idx.msk [tilespmem:v18+s12+$0x0], $0xffff;
	_ =	sdelay $0x4  }
0x5e: {  	[tilespmem:$0x6580] =	vst v2  }
0x5f: {  	v2 =	vld.idx.msk [tilespmem:v19+s12+$0x0], $0xffff;
	_ =	sdelay $0x4  }
0x60: {  	[tilespmem:$0x6590] =	vst v2  }
0x61: {  	v2 =	vld.idx.msk [tilespmem:v20+s12+$0x0], $0xffff;
	_ =	sdelay $0x4  }
0x62: {  	[tilespmem:$0x65A0] =	vst v2  }
0x63: {  	v2 =	vld.idx.msk [tilespmem:v21+s12+$0x0], $0xffff;
	_ =	sdelay $0x4  }
0x64: {  	[tilespmem:$0x65B0] =	vst v2  }
0x65: {  	v2 =	vld.idx.msk [tilespmem:v22+s12+$0x0], $0xffff;
	_ =	sdelay $0x4  }
0x66: {  	[tilespmem:$0x65C0] =	vst v2  }
0x67: {  	v2 =	vld.idx.msk [tilespmem:v23+s12+$0x0], $0xffff;
	_ =	sdelay $0x4  }
0x68: {  	[tilespmem:$0x65D0] =	vst v2  }
0x69: {  	v2 =	vld.idx.msk [tilespmem:v24+s12+$0x0], $0xffff;
	_ =	sdelay $0x4  }
0x6a: {  	[tilespmem:$0x65E0] =	vst v2  }
0x6b: {  	v2 =	vld.idx.msk [tilespmem:v25+s12+$0x0], $0xffff;
	_ =	sdelay $0x4  }
0x6c: {  	s15 =	simm.s32 $0x6580;
	s16 =	simm.s32 $0xE000;
	[tilespmem:$0x65F0] =	vst v2  }
0x6d: {  	[tilespmem:s16], [sflag:$0x4] =	stream.indirect.gather [hbm4b:s3+s8], $0x10, s15, s8, $0xb8;
	[tilespmem:$0x11480] =	vst v63  }
0x6e: {  	v2 =	vld.idx.msk [tilespmem:v26+s12+$0x0], $0xffff;
	_ =	sdelay $0x4  }
0x6f: {  	[tilespmem:$0x6600] =	vst v2  }
0x70: {  	v2 =	vld.idx.msk [tilespmem:v27+s12+$0x0], $0xffff;
	_ =	sdelay $0x4  }
0x71: {  	[tilespmem:$0x6610] =	vst v2  }
0x72: {  	v2 =	vld.idx.msk [tilespmem:v28+s12+$0x0], $0xffff;
	_ =	sdelay $0x4  }
0x73: {  	[tilespmem:$0x6620] =	vst v2  }
0x74: {  	v2 =	vld.idx.msk [tilespmem:v29+s12+$0x0], $0xffff;
	_ =	sdelay $0x4  }
0x75: {  	[tilespmem:$0x6630] =	vst v2  }
0x76: {  	v2 =	vld.idx.msk [tilespmem:v30+s12+$0x0], $0xffff;
	_ =	sdelay $0x4  }
0x77: {  	[tilespmem:$0x6640] =	vst v2  }
0x78: {  	v2 =	vld.idx.msk [tilespmem:v31+s12+$0x0], $0xffff;
	_ =	sdelay $0x4  }
0x79: {  	[tilespmem:$0x6650] =	vst v2  }
0x7a: {  	v2 =	vld.idx.msk [tilespmem:v32+s12+$0x0], $0xffff;
	_ =	sdelay $0x4  }
0x7b: {  	[tilespmem:$0x6660] =	vst v2  }
0x7c: {  	v2 =	vld.idx.msk [tilespmem:v33+s12+$0x0], $0xffff;
	_ =	sdelay $0x4  }
0x7d: {  	s17 =	simm.s32 $0x6600;
	s18 =	simm.s32 $0xE800;
	[tilespmem:$0x6670] =	vst v2  }
0x7e: {  	[tilespmem:s18], [sflag:$0x5] =	stream.indirect.gather [hbm4b:s3+s8], $0x10, s17, s8, $0xb8;
	[tilespmem:$0x11480] =	vst v63  }
0x7f: {  	v2 =	vld.idx.msk [tilespmem:v34+s12+$0x0], $0xffff;
	_ =	sdelay $0x4  }
0x80: {  	[tilespmem:$0x6680] =	vst v2  }
0x81: {  	v2 =	vld.idx.msk [tilespmem:v35+s12+$0x0], $0xffff;
	_ =	sdelay $0x4  }
0x82: {  	[tilespmem:$0x6690] =	vst v2  }
0x83: {  	v2 =	vld.idx.msk [tilespmem:v36+s12+$0x0], $0xffff;
	_ =	sdelay $0x4  }
0x84: {  	[tilespmem:$0x66A0] =	vst v2  }
0x85: {  	v2 =	vld.idx.msk [tilespmem:v37+s12+$0x0], $0xffff;
	_ =	sdelay $0x4  }
0x86: {  	[tilespmem:$0x66B0] =	vst v2  }
0x87: {  	v2 =	vld.idx.msk [tilespmem:v38+s12+$0x0], $0xffff;
	_ =	sdelay $0x4  }
0x88: {  	[tilespmem:$0x66C0] =	vst v2  }
0x89: {  	v2 =	vld.idx.msk [tilespmem:v39+s12+$0x0], $0xffff;
	_ =	sdelay $0x4  }
0x8a: {  	[tilespmem:$0x66D0] =	vst v2  }
0x8b: {  	v2 =	vld.idx.msk [tilespmem:v40+s12+$0x0], $0xffff;
	_ =	sdelay $0x4  }
0x8c: {  	[tilespmem:$0x66E0] =	vst v2  }
0x8d: {  	v2 =	vld.idx.msk [tilespmem:v41+s12+$0x0], $0xffff;
	_ =	sdelay $0x4  }
0x8e: {  	[tilespmem:$0x66F0] =	vst v2  }
0x8f: {  	[tilespmem:s20], [sflag:$0x6] =	stream.indirect.gather [hbm4b:s3+s8], $0x10, s19, s8, $0xb8;
	[tilespmem:$0x11480] =	vst v63  }
0x90: {  	v2 =	vld.idx.msk [tilespmem:v42+s12+$0x0], $0xffff;
	_ =	sdelay $0x4  }
0x91: {  	[tilespmem:$0x6700] =	vst v2  }
0x92: {  	v2 =	vld.idx.msk [tilespmem:v43+s12+$0x0], $0xffff;
	_ =	sdelay $0x4  }
0x93: {  	[tilespmem:$0x6710] =	vst v2  }
0x94: {  	v2 =	vld.idx.msk [tilespmem:v44+s12+$0x0], $0xffff;
	_ =	sdelay $0x4  }
0x95: {  	[tilespmem:$0x6720] =	vst v2  }
0x96: {  	v2 =	vld.idx.msk [tilespmem:v45+s12+$0x0], $0xffff;
	_ =	sdelay $0x4  }
0x97: {  	[tilespmem:$0x6730] =	vst v2  }
0x98: {  	v2 =	vld.idx.msk [tilespmem:v46+s12+$0x0], $0xffff;
	_ =	sdelay $0x4  }
0x99: {  	[tilespmem:$0x6740] =	vst v2  }
0x9a: {  	v2 =	vld.idx.msk [tilespmem:v47+s12+$0x0], $0xffff;
	_ =	sdelay $0x4  }
0x9b: {  	[tilespmem:$0x6750] =	vst v2  }
0x9c: {  	v2 =	vld.idx.msk [tilespmem:v48+s12+$0x0], $0xffff;
	_ =	sdelay $0x4  }
0x9d: {  	[tilespmem:$0x6760] =	vst v2  }
0x9e: {  	v2 =	vld.idx.msk [tilespmem:v49+s12+$0x0], $0xffff;
	_ =	sdelay $0x4  }
0x9f: {  	[tilespmem:$0x6770] =	vst v2  }
0xa0: {  	[tilespmem:s22], [sflag:$0x7] =	stream.indirect.gather [hbm4b:s3+s8], $0x10, s21, s8, $0xb8;
	[tilespmem:$0x11480] =	vst v63  }
0xa1: {  	v2 =	vld.idx.msk [tilespmem:v50+s12+$0x0], $0xffff;
	_ =	sdelay $0x4  }
0xa2: {  	[tilespmem:$0x6780] =	vst v2  }
0xa3: {  	v2 =	vld.idx.msk [tilespmem:v51+s12+$0x0], $0xffff;
	_ =	sdelay $0x4  }
0xa4: {  	[tilespmem:$0x6790] =	vst v2  }
0xa5: {  	v2 =	vld.idx.msk [tilespmem:v52+s12+$0x0], $0xffff;
	_ =	sdelay $0x4  }
0xa6: {  	[tilespmem:$0x67A0] =	vst v2  }
0xa7: {  	v2 =	vld.idx.msk [tilespmem:v53+s12+$0x0], $0xffff;
	_ =	sdelay $0x4  }
0xa8: {  	[tilespmem:$0x67B0] =	vst v2  }
0xa9: {  	v2 =	vld.idx.msk [tilespmem:v54+s12+$0x0], $0xffff;
	_ =	sdelay $0x4  }
0xaa: {  	[tilespmem:$0x67C0] =	vst v2  }
0xab: {  	v2 =	vld.idx.msk [tilespmem:v55+s12+$0x0], $0xffff;
	_ =	sdelay $0x4  }
0xac: {  	[tilespmem:$0x67D0] =	vst v2  }
0xad: {  	v2 =	vld.idx.msk [tilespmem:v56+s12+$0x0], $0xffff;
	_ =	sdelay $0x4  }
0xae: {  	[tilespmem:$0x67E0] =	vst v2  }
0xaf: {  	v2 =	vld.idx.msk [tilespmem:v57+s12+$0x0], $0xffff;
	_ =	sdelay $0x4  }
0xb0: {  	[tilespmem:$0x67F0] =	vst v2  }
0xb1: {  	[tilespmem:s24], [sflag:$0x8] =	stream.indirect.gather [hbm4b:s3+s8], $0x10, s23, s8, $0xb8;
	[tilespmem:$0x11480] =	vst v63  }
.LBB2_4:
0xb2: {  	p0 =	seq.s32 s12, $0x18  }
0xb3: {  	v2 =	vlaneseq.u32 @!p0  }
0xb4: {  	s13 =	sshll.u32 s12, $0x3;
	v2 =	vmul.u32 @!p0 $0xC8, v2  }
0xb5: {  	s14 =	sadd.s32 $0x8, s13  }
0xb6: {  	v3 =	vadd.s32 @!p0 s14, v2;
	_ =	sdelay $0x3  }
0xb7: {  	s16 =	simm.s32 @!p0 $0x0  }
0xb8: {  	s15 =	sadd.s32 @!p0 $0xC88, s13;
	v3 =	vld.idx.msk @!p0 [tilespmem:v3+s16+$0x0], $0xffff  }
0xb9: {  	v58 =	vadd.s32 @!p0 s15, v2;
	_ =	sdelay $0x1  }
0xba: {  	s14 =	sshll.u32 @!p0 s14, $0x7  }
0xbb: {  	s15 =	sand.u32 @!p0 $0x3FFFFF80, s14  }
0xbc: {  	[tilespmem:s15+$0x6400] =	vst @!p0 v3  }
0xbd: {  	s14 =	sadd.s32 @!p0 $0x1908, s13;
	v3 =	vld.idx.msk @!p0 [tilespmem:v58+s16+$0x0], $0xffff  }
0xbe: {  	v58 =	vadd.s32 @!p0 s14, v2;
	_ =	sdelay $0x3  }
0xbf: {  	[tilespmem:s15+$0x6410] =	vst @!p0 v3  }
0xc0: {  	s14 =	sadd.s32 @!p0 $0x2588, s13;
	v3 =	vld.idx.msk @!p0 [tilespmem:v58+s16+$0x0], $0xffff  }
0xc1: {  	v58 =	vadd.s32 @!p0 s14, v2;
	_ =	sdelay $0x3  }
0xc2: {  	[tilespmem:s15+$0x6420] =	vst @!p0 v3  }
0xc3: {  	s14 =	sadd.s32 @!p0 $0x3208, s13;
	v3 =	vld.idx.msk @!p0 [tilespmem:v58+s16+$0x0], $0xffff  }
0xc4: {  	v58 =	vadd.s32 @!p0 s14, v2;
	_ =	sdelay $0x3  }
0xc5: {  	[tilespmem:s15+$0x6430] =	vst @!p0 v3  }
0xc6: {  	s14 =	sadd.s32 @!p0 $0x3E88, s13;
	v3 =	vld.idx.msk @!p0 [tilespmem:v58+s16+$0x0], $0xffff  }
0xc7: {  	v58 =	vadd.s32 @!p0 s14, v2;
	_ =	sdelay $0x3  }
0xc8: {  	[tilespmem:s15+$0x6440] =	vst @!p0 v3  }
0xc9: {  	s14 =	sadd.s32 @!p0 $0x4B08, s13;
	v3 =	vld.idx.msk @!p0 [tilespmem:v58+s16+$0x0], $0xffff  }
0xca: {  	v58 =	vadd.s32 @!p0 s14, v2;
	_ =	sdelay $0x3  }
0xcb: {  	[tilespmem:s15+$0x6450] =	vst @!p0 v3  }
0xcc: {  	s14 =	sadd.s32 @!p0 $0x5788, s13;
	v3 =	vld.idx.msk @!p0 [tilespmem:v58+s16+$0x0], $0xffff  }
0xcd: {  	v2 =	vadd.s32 @!p0 s14, v2;
	_ =	sdelay $0x3  }
0xce: {  	[tilespmem:s15+$0x6460] =	vst @!p0 v3  }
0xcf: {  	v2 =	vld.idx.msk @!p0 [tilespmem:v2+s16+$0x0], $0xffff;
	_ =	sdelay $0x4  }
0xd0: {  	[tilespmem:s15+$0x6470] =	vst @!p0 v2  }
0xd1: {  	_ =	swait.ge [sflag:s25], $0x800  }
0xd2: {  	[sflag:s25] =	ssyncset.done $0x0  }
0xd3: {  	s18 =	simm.s32 $0x0;
	[sflag:s25] =	ssyncadd.s32 $0xFFFFF800  }
0xd4: {  	v59 =	vld [tilespmem:s18+$0xC830]  }
0xd5: {  	v60 =	vld [tilespmem:s18+$0xC800]  }
0xd6: {  	v63 =	vimm.f32 $0.0e+00;
	v61 =	vld [tilespmem:s18+$0xC810]  }
0xd7: {  	s14 =	simm.s32 $0x100;
	v58 =	vimm.f32 $0.0e+00;
	v3 =	vimm.f32 $0.0e+00;
	v2 =	vimm.f32 $0.0e+00;
	v62 =	vld [tilespmem:s18+$0xC820]  }
.LBB2_5:
0xd8: {  	p1 =	sne.s32 s14, $0x1F00  }
.Ltmp3:
0xd9: {  	s16 =	sshra.s32 s14, $0x2;
	s14 =	sadd.s32 $0x100, s14;
	v58 =	vadd.f32 v59, v58;
	(pc) =	sbr.rel @p1 .LBB2_5-.Ltmp3, $4  }
0xda: {  	v59 =	vld [tilespmem:s16+$0xC830];
	v63 =	vadd.f32 v60, v63  }
0xdb: {  	v60 =	vld [tilespmem:s16+$0xC800];
	v2 =	vadd.f32 v61, v2  }
0xdc: {  	v61 =	vld [tilespmem:s16+$0xC810];
	v3 =	vadd.f32 v62, v3  }
0xdd: {  	v62 =	vld [tilespmem:s16+$0xC820]  }
0xde: {  	_ =	sdelay $0x2  }
0xdf: {  	v58 =	vadd.f32 v59, v58;
	v59 =	vadd.f32 v60, v63  }
0xe0: {  	v2 =	vadd.f32 v61, v2;
	v3 =	vadd.f32 v62, v3  }
0xe1: {  	v60 =	vlaneseq.u32 @!p0  }
0xe2: {  	v2 =	vadd.f32 v2, v59;
	v3 =	vadd.f32 v58, v3;
	v58 =	vmul.u32 @!p0 $0xC8, v60  }
0xe3: {  	s16 =	sadd.s32 @!p0 $0x9, s13  }
0xe4: {  	s14 =	sshll.u32 s12, $0x7;
	v2 =	vadd.f32 v3, v2;
	v3 =	vadd.s32 @!p0 s16, v58  }
0xe5: {  	s14 =	sand.u32 $0x3FFFFF80, s14  }
0xe6: {  	s15 =	sadd.s32 @!p0 $0x6400, s15;
	s17 =	simm.s32 @!p0 $0x80;
	s18 =	simm.s32 @!p0 $0xC800;
	[tilespmem:s14+$0x10800] =	vst v2  }
0xe7: {  	[tilespmem:s18], [sflag:$0x1] =	stream.indirect.gather @!p0 [hbm4b:s3+s17], $0x10, s15, s17, $0xb8;
	[tilespmem:$0x11480] =	vst v63  }
0xe8: {  	s17 =	simm.s32 @!p0 $0x0  }
0xe9: {  	s15 =	sadd.s32 @!p0 $0xC89, s13;
	v2 =	vld.idx.msk @!p0 [tilespmem:v3+s17+$0x0], $0xffff  }
0xea: {  	v3 =	vadd.s32 @!p0 s15, v58;
	_ =	sdelay $0x1  }
0xeb: {  	s15 =	sshll.u32 @!p0 s16, $0x9  }
0xec: {  	s16 =	sshrl.u32 @!p0 s15, $0x2  }
0xed: {  	[tilespmem:s16+$0x6400] =	vst @!p0 v2  }
0xee: {  	s18 =	sadd.s32 @!p0 $0x1909, s13;
	v2 =	vld.idx.msk @!p0 [tilespmem:v3+s17+$0x0], $0xffff  }
0xef: {  	v3 =	vadd.s32 @!p0 s18, v58;
	_ =	sdelay $0x3  }
0xf0: {  	[tilespmem:s16+$0x6410] =	vst @!p0 v2  }
0xf1: {  	s18 =	sadd.s32 @!p0 $0x2589, s13;
	v2 =	vld.idx.msk @!p0 [tilespmem:v3+s17+$0x0], $0xffff  }
0xf2: {  	v3 =	vadd.s32 @!p0 s18, v58;
	_ =	sdelay $0x3  }
0xf3: {  	[tilespmem:s16+$0x6420] =	vst @!p0 v2  }
0xf4: {  	s18 =	sadd.s32 @!p0 $0x3209, s13;
	v2 =	vld.idx.msk @!p0 [tilespmem:v3+s17+$0x0], $0xffff  }
0xf5: {  	v3 =	vadd.s32 @!p0 s18, v58;
	_ =	sdelay $0x3  }
0xf6: {  	[tilespmem:s16+$0x6430] =	vst @!p0 v2  }
0xf7: {  	s18 =	sadd.s32 @!p0 $0x3E89, s13;
	v2 =	vld.idx.msk @!p0 [tilespmem:v3+s17+$0x0], $0xffff  }
0xf8: {  	v3 =	vadd.s32 @!p0 s18, v58;
	_ =	sdelay $0x3  }
0xf9: {  	[tilespmem:s16+$0x6440] =	vst @!p0 v2  }
0xfa: {  	s18 =	sadd.s32 @!p0 $0x4B09, s13;
	v2 =	vld.idx.msk @!p0 [tilespmem:v3+s17+$0x0], $0xffff  }
0xfb: {  	v3 =	vadd.s32 @!p0 s18, v58;
	_ =	sdelay $0x3  }
0xfc: {  	[tilespmem:s16+$0x6450] =	vst @!p0 v2  }
0xfd: {  	s18 =	sadd.s32 @!p0 $0x5789, s13;
	v2 =	vld.idx.msk @!p0 [tilespmem:v3+s17+$0x0], $0xffff  }
0xfe: {  	v3 =	vadd.s32 @!p0 s18, v58;
	_ =	sdelay $0x3  }
0xff: {  	[tilespmem:s16+$0x6460] =	vst @!p0 v2  }
0x100: {  	v2 =	vld.idx.msk @!p0 [tilespmem:v3+s17+$0x0], $0xffff;
	_ =	sdelay $0x4  }
0x101: {  	[tilespmem:s16+$0x6470] =	vst @!p0 v2  }
0x102: {  	_ =	swait.ge [sflag:s26], $0x800  }
0x103: {  	[sflag:s26] =	ssyncset.done $0x0  }
0x104: {  	s18 =	simm.s32 $0x0;
	[sflag:s26] =	ssyncadd.s32 $0xFFFFF800  }
0x105: {  	v59 =	vld [tilespmem:s18+$0xD030]  }
0x106: {  	v60 =	vld [tilespmem:s18+$0xD000]  }
0x107: {  	v63 =	vimm.f32 $0.0e+00;
	v61 =	vld [tilespmem:s18+$0xD010]  }
0x108: {  	s15 =	simm.s32 @p0 $0x19200;
	v58 =	vimm.f32 $0.0e+00;
	v3 =	vimm.f32 $0.0e+00;
	s16 =	simm.s32 $0x100;
	v2 =	vimm.f32 $0.0e+00;
	v62 =	vld [tilespmem:s18+$0xD020]  }
.LBB2_7:
0x109: {  	p1 =	sne.s32 s16, $0x1F00  }
.Ltmp4:
0x10a: {  	s17 =	sshra.s32 s16, $0x2;
	s16 =	sadd.s32 $0x100, s16;
	v58 =	vadd.f32 v59, v58;
	(pc) =	sbr.rel @p1 .LBB2_7-.Ltmp4, $4  }
0x10b: {  	v59 =	vld [tilespmem:s17+$0xD030];
	v2 =	vadd.f32 v60, v2  }
0x10c: {  	v60 =	vld [tilespmem:s17+$0xD000];
	v3 =	vadd.f32 v61, v3  }
0x10d: {  	v61 =	vld [tilespmem:s17+$0xD010];
	v63 =	vadd.f32 v62, v63  }
0x10e: {  	v62 =	vld [tilespmem:s17+$0xD020]  }
0x10f: {  	_ =	sdelay $0x2  }
0x110: {  	v58 =	vadd.f32 v59, v58;
	v2 =	vadd.f32 v60, v2  }
0x111: {  	v3 =	vadd.f32 v61, v3;
	v59 =	vadd.f32 v62, v63  }
0x112: {  	v60 =	vlaneseq.u32 @!p0  }
0x113: {  	v2 =	vadd.f32 v3, v2;
	v3 =	vadd.f32 v58, v59;
	v58 =	vmul.u32 @!p0 $0xC8, v60  }
0x114: {  	s16 =	sadd.s32 @!p0 $0xA, s13  }
0x115: {  	v2 =	vadd.f32 v3, v2;
	v3 =	vadd.s32 @!p0 s16, v58  }
0x116: {  	s15 =	sshrl.u32 @!p0 s15, $0x2  }
0x117: {  	s17 =	simm.s32 @!p0 $0x80;
	s18 =	simm.s32 @!p0 $0xD000;
	s15 =	sadd.s32 @!p0 $0x6400, s15;
	[tilespmem:s14+$0x10810] =	vst v2  }
0x118: {  	[tilespmem:s18], [sflag:$0x2] =	stream.indirect.gather @!p0 [hbm4b:s3+s17], $0x10, s15, s17, $0xb8;
	[tilespmem:$0x11480] =	vst v63  }
0x119: {  	s17 =	simm.s32 @!p0 $0x0  }
0x11a: {  	s15 =	sadd.s32 @!p0 $0xC8A, s13;
	v2 =	vld.idx.msk @!p0 [tilespmem:v3+s17+$0x0], $0xffff  }
0x11b: {  	v3 =	vadd.s32 @!p0 s15, v58;
	_ =	sdelay $0x1  }
0x11c: {  	s15 =	sshll.u32 @!p0 s16, $0x9  }
0x11d: {  	s16 =	sshrl.u32 @!p0 s15, $0x2  }
0x11e: {  	[tilespmem:s16+$0x6400] =	vst @!p0 v2  }
0x11f: {  	s18 =	sadd.s32 @!p0 $0x190A, s13;
	v2 =	vld.idx.msk @!p0 [tilespmem:v3+s17+$0x0], $0xffff  }
0x120: {  	v3 =	vadd.s32 @!p0 s18, v58;
	_ =	sdelay $0x3  }
0x121: {  	[tilespmem:s16+$0x6410] =	vst @!p0 v2  }
0x122: {  	s18 =	sadd.s32 @!p0 $0x258A, s13;
	v2 =	vld.idx.msk @!p0 [tilespmem:v3+s17+$0x0], $0xffff  }
0x123: {  	v3 =	vadd.s32 @!p0 s18, v58;
	_ =	sdelay $0x3  }
0x124: {  	[tilespmem:s16+$0x6420] =	vst @!p0 v2  }
0x125: {  	s18 =	sadd.s32 @!p0 $0x320A, s13;
	v2 =	vld.idx.msk @!p0 [tilespmem:v3+s17+$0x0], $0xffff  }
0x126: {  	v3 =	vadd.s32 @!p0 s18, v58;
	_ =	sdelay $0x3  }
0x127: {  	[tilespmem:s16+$0x6430] =	vst @!p0 v2  }
0x128: {  	s18 =	sadd.s32 @!p0 $0x3E8A, s13;
	v2 =	vld.idx.msk @!p0 [tilespmem:v3+s17+$0x0], $0xffff  }
0x129: {  	v3 =	vadd.s32 @!p0 s18, v58;
	_ =	sdelay $0x3  }
0x12a: {  	[tilespmem:s16+$0x6440] =	vst @!p0 v2  }
0x12b: {  	s18 =	sadd.s32 @!p0 $0x4B0A, s13;
	v2 =	vld.idx.msk @!p0 [tilespmem:v3+s17+$0x0], $0xffff  }
0x12c: {  	v3 =	vadd.s32 @!p0 s18, v58;
	_ =	sdelay $0x3  }
0x12d: {  	[tilespmem:s16+$0x6450] =	vst @!p0 v2  }
0x12e: {  	s18 =	sadd.s32 @!p0 $0x578A, s13;
	v2 =	vld.idx.msk @!p0 [tilespmem:v3+s17+$0x0], $0xffff  }
0x12f: {  	v3 =	vadd.s32 @!p0 s18, v58;
	_ =	sdelay $0x3  }
0x130: {  	[tilespmem:s16+$0x6460] =	vst @!p0 v2  }
0x131: {  	v2 =	vld.idx.msk @!p0 [tilespmem:v3+s17+$0x0], $0xffff;
	_ =	sdelay $0x4  }
0x132: {  	[tilespmem:s16+$0x6470] =	vst @!p0 v2  }
0x133: {  	_ =	swait.ge [sflag:s28], $0x800  }
0x134: {  	[sflag:s28] =	ssyncset.done $0x0  }
0x135: {  	s18 =	simm.s32 $0x0;
	[sflag:s28] =	ssyncadd.s32 $0xFFFFF800  }
0x136: {  	v59 =	vld [tilespmem:s18+$0xD830]  }
0x137: {  	v60 =	vld [tilespmem:s18+$0xD800]  }
0x138: {  	v63 =	vimm.f32 $0.0e+00;
	v61 =	vld [tilespmem:s18+$0xD810]  }
0x139: {  	s15 =	simm.s32 @p0 $0x19400;
	v58 =	vimm.f32 $0.0e+00;
	v3 =	vimm.f32 $0.0e+00;
	s16 =	simm.s32 $0x100;
	v2 =	vimm.f32 $0.0e+00;
	v62 =	vld [tilespmem:s18+$0xD820]  }
.LBB2_9:
0x13a: {  	p1 =	sne.s32 s16, $0x1F00  }
.Ltmp5:
0x13b: {  	s17 =	sshra.s32 s16, $0x2;
	s16 =	sadd.s32 $0x100, s16;
	v58 =	vadd.f32 v59, v58;
	(pc) =	sbr.rel @p1 .LBB2_9-.Ltmp5, $4  }
0x13c: {  	v59 =	vld [tilespmem:s17+$0xD830];
	v2 =	vadd.f32 v60, v2  }
0x13d: {  	v60 =	vld [tilespmem:s17+$0xD800];
	v3 =	vadd.f32 v61, v3  }
0x13e: {  	v61 =	vld [tilespmem:s17+$0xD810];
	v63 =	vadd.f32 v62, v63  }
0x13f: {  	v62 =	vld [tilespmem:s17+$0xD820]  }
0x140: {  	_ =	sdelay $0x2  }
0x141: {  	v58 =	vadd.f32 v59, v58;
	v2 =	vadd.f32 v60, v2  }
0x142: {  	v3 =	vadd.f32 v61, v3;
	v59 =	vadd.f32 v62, v63  }
0x143: {  	v60 =	vlaneseq.u32 @!p0  }
0x144: {  	v2 =	vadd.f32 v3, v2;
	v3 =	vadd.f32 v58, v59;
	v58 =	vmul.u32 @!p0 $0xC8, v60  }
0x145: {  	s16 =	sadd.s32 @!p0 $0xB, s13  }
0x146: {  	v2 =	vadd.f32 v3, v2;
	v3 =	vadd.s32 @!p0 s16, v58  }
0x147: {  	s15 =	sshrl.u32 @!p0 s15, $0x2  }
0x148: {  	s17 =	simm.s32 @!p0 $0x80;
	s18 =	simm.s32 @!p0 $0xD800;
	s15 =	sadd.s32 @!p0 $0x6400, s15;
	[tilespmem:s14+$0x10820] =	vst v2  }
0x149: {  	[tilespmem:s18], [sflag:$0x3] =	stream.indirect.gather @!p0 [hbm4b:s3+s17], $0x10, s15, s17, $0xb8;
	[tilespmem:$0x11480] =	vst v63  }
0x14a: {  	s17 =	simm.s32 @!p0 $0x0  }
0x14b: {  	s15 =	sadd.s32 @!p0 $0xC8B, s13;
	v2 =	vld.idx.msk @!p0 [tilespmem:v3+s17+$0x0], $0xffff  }
0x14c: {  	v3 =	vadd.s32 @!p0 s15, v58;
	_ =	sdelay $0x1  }
0x14d: {  	s15 =	sshll.u32 @!p0 s16, $0x9  }
0x14e: {  	s16 =	sshrl.u32 @!p0 s15, $0x2  }
0x14f: {  	[tilespmem:s16+$0x6400] =	vst @!p0 v2  }
0x150: {  	s18 =	sadd.s32 @!p0 $0x190B, s13;
	v2 =	vld.idx.msk @!p0 [tilespmem:v3+s17+$0x0], $0xffff  }
0x151: {  	v3 =	vadd.s32 @!p0 s18, v58;
	_ =	sdelay $0x3  }
0x152: {  	[tilespmem:s16+$0x6410] =	vst @!p0 v2  }
0x153: {  	s18 =	sadd.s32 @!p0 $0x258B, s13;
	v2 =	vld.idx.msk @!p0 [tilespmem:v3+s17+$0x0], $0xffff  }
0x154: {  	v3 =	vadd.s32 @!p0 s18, v58;
	_ =	sdelay $0x3  }
0x155: {  	[tilespmem:s16+$0x6420] =	vst @!p0 v2  }
0x156: {  	s18 =	sadd.s32 @!p0 $0x320B, s13;
	v2 =	vld.idx.msk @!p0 [tilespmem:v3+s17+$0x0], $0xffff  }
0x157: {  	v3 =	vadd.s32 @!p0 s18, v58;
	_ =	sdelay $0x3  }
0x158: {  	[tilespmem:s16+$0x6430] =	vst @!p0 v2  }
0x159: {  	s18 =	sadd.s32 @!p0 $0x3E8B, s13;
	v2 =	vld.idx.msk @!p0 [tilespmem:v3+s17+$0x0], $0xffff  }
0x15a: {  	v3 =	vadd.s32 @!p0 s18, v58;
	_ =	sdelay $0x3  }
0x15b: {  	[tilespmem:s16+$0x6440] =	vst @!p0 v2  }
0x15c: {  	s18 =	sadd.s32 @!p0 $0x4B0B, s13;
	v2 =	vld.idx.msk @!p0 [tilespmem:v3+s17+$0x0], $0xffff  }
0x15d: {  	v3 =	vadd.s32 @!p0 s18, v58;
	_ =	sdelay $0x3  }
0x15e: {  	[tilespmem:s16+$0x6450] =	vst @!p0 v2  }
0x15f: {  	s18 =	sadd.s32 @!p0 $0x578B, s13;
	v2 =	vld.idx.msk @!p0 [tilespmem:v3+s17+$0x0], $0xffff  }
0x160: {  	v3 =	vadd.s32 @!p0 s18, v58;
	_ =	sdelay $0x3  }
0x161: {  	[tilespmem:s16+$0x6460] =	vst @!p0 v2  }
0x162: {  	v2 =	vld.idx.msk @!p0 [tilespmem:v3+s17+$0x0], $0xffff;
	_ =	sdelay $0x4  }
0x163: {  	[tilespmem:s16+$0x6470] =	vst @!p0 v2  }
0x164: {  	_ =	swait.ge [sflag:s29], $0x800  }
0x165: {  	[sflag:s29] =	ssyncset.done $0x0  }
0x166: {  	s18 =	simm.s32 $0x0;
	[sflag:s29] =	ssyncadd.s32 $0xFFFFF800  }
0x167: {  	v59 =	vld [tilespmem:s18+$0xE030]  }
0x168: {  	v60 =	vld [tilespmem:s18+$0xE000]  }
0x169: {  	v63 =	vimm.f32 $0.0e+00;
	v61 =	vld [tilespmem:s18+$0xE010]  }
0x16a: {  	s15 =	simm.s32 @p0 $0x19600;
	v58 =	vimm.f32 $0.0e+00;
	v3 =	vimm.f32 $0.0e+00;
	s16 =	simm.s32 $0x100;
	v2 =	vimm.f32 $0.0e+00;
	v62 =	vld [tilespmem:s18+$0xE020]  }
.LBB2_11:
0x16b: {  	p1 =	sne.s32 s16, $0x1F00  }
.Ltmp6:
0x16c: {  	s17 =	sshra.s32 s16, $0x2;
	s16 =	sadd.s32 $0x100, s16;
	v58 =	vadd.f32 v59, v58;
	(pc) =	sbr.rel @p1 .LBB2_11-.Ltmp6, $4  }
0x16d: {  	v59 =	vld [tilespmem:s17+$0xE030];
	v2 =	vadd.f32 v60, v2  }
0x16e: {  	v60 =	vld [tilespmem:s17+$0xE000];
	v3 =	vadd.f32 v61, v3  }
0x16f: {  	v61 =	vld [tilespmem:s17+$0xE010];
	v63 =	vadd.f32 v62, v63  }
0x170: {  	v62 =	vld [tilespmem:s17+$0xE020]  }
0x171: {  	_ =	sdelay $0x2  }
0x172: {  	v58 =	vadd.f32 v59, v58;
	v2 =	vadd.f32 v60, v2  }
0x173: {  	v3 =	vadd.f32 v61, v3;
	v59 =	vadd.f32 v62, v63  }
0x174: {  	v60 =	vlaneseq.u32 @!p0  }
0x175: {  	v2 =	vadd.f32 v3, v2;
	v3 =	vadd.f32 v58, v59;
	v58 =	vmul.u32 @!p0 $0xC8, v60  }
0x176: {  	s16 =	sadd.s32 @!p0 $0xC, s13  }
0x177: {  	v2 =	vadd.f32 v3, v2;
	v3 =	vadd.s32 @!p0 s16, v58  }
0x178: {  	s15 =	sshrl.u32 @!p0 s15, $0x2  }
0x179: {  	s17 =	simm.s32 @!p0 $0x80;
	s18 =	simm.s32 @!p0 $0xE000;
	s15 =	sadd.s32 @!p0 $0x6400, s15;
	[tilespmem:s14+$0x10830] =	vst v2  }
0x17a: {  	[tilespmem:s18], [sflag:$0x4] =	stream.indirect.gather @!p0 [hbm4b:s3+s17], $0x10, s15, s17, $0xb8;
	[tilespmem:$0x11480] =	vst v63  }
0x17b: {  	s17 =	simm.s32 @!p0 $0x0  }
0x17c: {  	s15 =	sadd.s32 @!p0 $0xC8C, s13;
	v2 =	vld.idx.msk @!p0 [tilespmem:v3+s17+$0x0], $0xffff  }
0x17d: {  	v3 =	vadd.s32 @!p0 s15, v58;
	_ =	sdelay $0x1  }
0x17e: {  	s15 =	sshll.u32 @!p0 s16, $0x9  }
0x17f: {  	s16 =	sshrl.u32 @!p0 s15, $0x2  }
0x180: {  	[tilespmem:s16+$0x6400] =	vst @!p0 v2  }
0x181: {  	s18 =	sadd.s32 @!p0 $0x190C, s13;
	v2 =	vld.idx.msk @!p0 [tilespmem:v3+s17+$0x0], $0xffff  }
0x182: {  	v3 =	vadd.s32 @!p0 s18, v58;
	_ =	sdelay $0x3  }
0x183: {  	[tilespmem:s16+$0x6410] =	vst @!p0 v2  }
0x184: {  	s18 =	sadd.s32 @!p0 $0x258C, s13;
	v2 =	vld.idx.msk @!p0 [tilespmem:v3+s17+$0x0], $0xffff  }
0x185: {  	v3 =	vadd.s32 @!p0 s18, v58;
	_ =	sdelay $0x3  }
0x186: {  	[tilespmem:s16+$0x6420] =	vst @!p0 v2  }
0x187: {  	s18 =	sadd.s32 @!p0 $0x320C, s13;
	v2 =	vld.idx.msk @!p0 [tilespmem:v3+s17+$0x0], $0xffff  }
0x188: {  	v3 =	vadd.s32 @!p0 s18, v58;
	_ =	sdelay $0x3  }
0x189: {  	[tilespmem:s16+$0x6430] =	vst @!p0 v2  }
0x18a: {  	s18 =	sadd.s32 @!p0 $0x3E8C, s13;
	v2 =	vld.idx.msk @!p0 [tilespmem:v3+s17+$0x0], $0xffff  }
0x18b: {  	v3 =	vadd.s32 @!p0 s18, v58;
	_ =	sdelay $0x3  }
0x18c: {  	[tilespmem:s16+$0x6440] =	vst @!p0 v2  }
0x18d: {  	s18 =	sadd.s32 @!p0 $0x4B0C, s13;
	v2 =	vld.idx.msk @!p0 [tilespmem:v3+s17+$0x0], $0xffff  }
0x18e: {  	v3 =	vadd.s32 @!p0 s18, v58;
	_ =	sdelay $0x3  }
0x18f: {  	[tilespmem:s16+$0x6450] =	vst @!p0 v2  }
0x190: {  	s18 =	sadd.s32 @!p0 $0x578C, s13;
	v2 =	vld.idx.msk @!p0 [tilespmem:v3+s17+$0x0], $0xffff  }
0x191: {  	v3 =	vadd.s32 @!p0 s18, v58;
	_ =	sdelay $0x3  }
0x192: {  	[tilespmem:s16+$0x6460] =	vst @!p0 v2  }
0x193: {  	v2 =	vld.idx.msk @!p0 [tilespmem:v3+s17+$0x0], $0xffff;
	_ =	sdelay $0x4  }
0x194: {  	[tilespmem:s16+$0x6470] =	vst @!p0 v2  }
0x195: {  	_ =	swait.ge [sflag:s30], $0x800  }
0x196: {  	[sflag:s30] =	ssyncset.done $0x0  }
0x197: {  	s18 =	simm.s32 $0x0;
	[sflag:s30] =	ssyncadd.s32 $0xFFFFF800  }
0x198: {  	v59 =	vld [tilespmem:s18+$0xE830]  }
0x199: {  	v60 =	vld [tilespmem:s18+$0xE800]  }
0x19a: {  	v63 =	vimm.f32 $0.0e+00;
	v61 =	vld [tilespmem:s18+$0xE810]  }
0x19b: {  	s15 =	simm.s32 @p0 $0x19800;
	v58 =	vimm.f32 $0.0e+00;
	v3 =	vimm.f32 $0.0e+00;
	s16 =	simm.s32 $0x100;
	v2 =	vimm.f32 $0.0e+00;
	v62 =	vld [tilespmem:s18+$0xE820]  }
.LBB2_13:
0x19c: {  	p1 =	sne.s32 s16, $0x1F00  }
.Ltmp7:
0x19d: {  	s17 =	sshra.s32 s16, $0x2;
	s16 =	sadd.s32 $0x100, s16;
	v58 =	vadd.f32 v59, v58;
	(pc) =	sbr.rel @p1 .LBB2_13-.Ltmp7, $4  }
0x19e: {  	v59 =	vld [tilespmem:s17+$0xE830];
	v2 =	vadd.f32 v60, v2  }
0x19f: {  	v60 =	vld [tilespmem:s17+$0xE800];
	v3 =	vadd.f32 v61, v3  }
0x1a0: {  	v61 =	vld [tilespmem:s17+$0xE810];
	v63 =	vadd.f32 v62, v63  }
0x1a1: {  	v62 =	vld [tilespmem:s17+$0xE820]  }
0x1a2: {  	_ =	sdelay $0x2  }
0x1a3: {  	v58 =	vadd.f32 v59, v58;
	v2 =	vadd.f32 v60, v2  }
0x1a4: {  	v3 =	vadd.f32 v61, v3;
	v59 =	vadd.f32 v62, v63  }
0x1a5: {  	v60 =	vlaneseq.u32 @!p0  }
0x1a6: {  	v2 =	vadd.f32 v3, v2;
	v3 =	vadd.f32 v58, v59;
	v58 =	vmul.u32 @!p0 $0xC8, v60  }
0x1a7: {  	s16 =	sadd.s32 @!p0 $0xD, s13  }
0x1a8: {  	v2 =	vadd.f32 v3, v2;
	v3 =	vadd.s32 @!p0 s16, v58  }
0x1a9: {  	s15 =	sshrl.u32 @!p0 s15, $0x2  }
0x1aa: {  	s17 =	simm.s32 @!p0 $0x80;
	s18 =	simm.s32 @!p0 $0xE800;
	s15 =	sadd.s32 @!p0 $0x6400, s15;
	[tilespmem:s14+$0x10840] =	vst v2  }
0x1ab: {  	[tilespmem:s18], [sflag:$0x5] =	stream.indirect.gather @!p0 [hbm4b:s3+s17], $0x10, s15, s17, $0xb8;
	[tilespmem:$0x11480] =	vst v63  }
0x1ac: {  	s17 =	simm.s32 @!p0 $0x0  }
0x1ad: {  	s15 =	sadd.s32 @!p0 $0xC8D, s13;
	v2 =	vld.idx.msk @!p0 [tilespmem:v3+s17+$0x0], $0xffff  }
0x1ae: {  	v3 =	vadd.s32 @!p0 s15, v58;
	_ =	sdelay $0x1  }
0x1af: {  	s15 =	sshll.u32 @!p0 s16, $0x9  }
0x1b0: {  	s16 =	sshrl.u32 @!p0 s15, $0x2  }
0x1b1: {  	[tilespmem:s16+$0x6400] =	vst @!p0 v2  }
0x1b2: {  	s18 =	sadd.s32 @!p0 $0x190D, s13;
	v2 =	vld.idx.msk @!p0 [tilespmem:v3+s17+$0x0], $0xffff  }
0x1b3: {  	v3 =	vadd.s32 @!p0 s18, v58;
	_ =	sdelay $0x3  }
0x1b4: {  	[tilespmem:s16+$0x6410] =	vst @!p0 v2  }
0x1b5: {  	s18 =	sadd.s32 @!p0 $0x258D, s13;
	v2 =	vld.idx.msk @!p0 [tilespmem:v3+s17+$0x0], $0xffff  }
0x1b6: {  	v3 =	vadd.s32 @!p0 s18, v58;
	_ =	sdelay $0x3  }
0x1b7: {  	[tilespmem:s16+$0x6420] =	vst @!p0 v2  }
0x1b8: {  	s18 =	sadd.s32 @!p0 $0x320D, s13;
	v2 =	vld.idx.msk @!p0 [tilespmem:v3+s17+$0x0], $0xffff  }
0x1b9: {  	v3 =	vadd.s32 @!p0 s18, v58;
	_ =	sdelay $0x3  }
0x1ba: {  	[tilespmem:s16+$0x6430] =	vst @!p0 v2  }
0x1bb: {  	s18 =	sadd.s32 @!p0 $0x3E8D, s13;
	v2 =	vld.idx.msk @!p0 [tilespmem:v3+s17+$0x0], $0xffff  }
0x1bc: {  	v3 =	vadd.s32 @!p0 s18, v58;
	_ =	sdelay $0x3  }
0x1bd: {  	[tilespmem:s16+$0x6440] =	vst @!p0 v2  }
0x1be: {  	s18 =	sadd.s32 @!p0 $0x4B0D, s13;
	v2 =	vld.idx.msk @!p0 [tilespmem:v3+s17+$0x0], $0xffff  }
0x1bf: {  	v3 =	vadd.s32 @!p0 s18, v58;
	_ =	sdelay $0x3  }
0x1c0: {  	[tilespmem:s16+$0x6450] =	vst @!p0 v2  }
0x1c1: {  	s18 =	sadd.s32 @!p0 $0x578D, s13;
	v2 =	vld.idx.msk @!p0 [tilespmem:v3+s17+$0x0], $0xffff  }
0x1c2: {  	v3 =	vadd.s32 @!p0 s18, v58;
	_ =	sdelay $0x3  }
0x1c3: {  	[tilespmem:s16+$0x6460] =	vst @!p0 v2  }
0x1c4: {  	v2 =	vld.idx.msk @!p0 [tilespmem:v3+s17+$0x0], $0xffff;
	_ =	sdelay $0x4  }
0x1c5: {  	[tilespmem:s16+$0x6470] =	vst @!p0 v2  }
0x1c6: {  	_ =	swait.ge [sflag:s31], $0x800  }
0x1c7: {  	[sflag:s31] =	ssyncset.done $0x0  }
0x1c8: {  	s18 =	simm.s32 $0x0;
	[sflag:s31] =	ssyncadd.s32 $0xFFFFF800  }
0x1c9: {  	v59 =	vld [tilespmem:s18+$0xF030]  }
0x1ca: {  	v60 =	vld [tilespmem:s18+$0xF000]  }
0x1cb: {  	v63 =	vimm.f32 $0.0e+00;
	v61 =	vld [tilespmem:s18+$0xF010]  }
0x1cc: {  	s15 =	simm.s32 @p0 $0x19A00;
	v58 =	vimm.f32 $0.0e+00;
	v3 =	vimm.f32 $0.0e+00;
	s16 =	simm.s32 $0x100;
	v2 =	vimm.f32 $0.0e+00;
	v62 =	vld [tilespmem:s18+$0xF020]  }
.LBB2_15:
0x1cd: {  	p1 =	sne.s32 s16, $0x1F00  }
.Ltmp8:
0x1ce: {  	s17 =	sshra.s32 s16, $0x2;
	s16 =	sadd.s32 $0x100, s16;
	v58 =	vadd.f32 v59, v58;
	(pc) =	sbr.rel @p1 .LBB2_15-.Ltmp8, $4  }
0x1cf: {  	v59 =	vld [tilespmem:s17+$0xF030];
	v2 =	vadd.f32 v60, v2  }
0x1d0: {  	v60 =	vld [tilespmem:s17+$0xF000];
	v3 =	vadd.f32 v61, v3  }
0x1d1: {  	v61 =	vld [tilespmem:s17+$0xF010];
	v63 =	vadd.f32 v62, v63  }
0x1d2: {  	v62 =	vld [tilespmem:s17+$0xF020]  }
0x1d3: {  	_ =	sdelay $0x2  }
0x1d4: {  	v58 =	vadd.f32 v59, v58;
	v2 =	vadd.f32 v60, v2  }
0x1d5: {  	v3 =	vadd.f32 v61, v3;
	v59 =	vadd.f32 v62, v63  }
0x1d6: {  	v60 =	vlaneseq.u32 @!p0  }
0x1d7: {  	v2 =	vadd.f32 v3, v2;
	v3 =	vadd.f32 v58, v59;
	v58 =	vmul.u32 @!p0 $0xC8, v60  }
0x1d8: {  	s16 =	sadd.s32 @!p0 $0xE, s13  }
0x1d9: {  	v2 =	vadd.f32 v3, v2;
	v3 =	vadd.s32 @!p0 s16, v58  }
0x1da: {  	s15 =	sshrl.u32 @!p0 s15, $0x2  }
0x1db: {  	s17 =	simm.s32 @!p0 $0x80;
	s18 =	simm.s32 @!p0 $0xF000;
	s15 =	sadd.s32 @!p0 $0x6400, s15;
	[tilespmem:s14+$0x10850] =	vst v2  }
0x1dc: {  	[tilespmem:s18], [sflag:$0x6] =	stream.indirect.gather @!p0 [hbm4b:s3+s17], $0x10, s15, s17, $0xb8;
	[tilespmem:$0x11480] =	vst v63  }
0x1dd: {  	s17 =	simm.s32 @!p0 $0x0  }
0x1de: {  	s15 =	sadd.s32 @!p0 $0xC8E, s13;
	v2 =	vld.idx.msk @!p0 [tilespmem:v3+s17+$0x0], $0xffff  }
0x1df: {  	v3 =	vadd.s32 @!p0 s15, v58;
	_ =	sdelay $0x1  }
0x1e0: {  	s15 =	sshll.u32 @!p0 s16, $0x9  }
0x1e1: {  	s16 =	sshrl.u32 @!p0 s15, $0x2  }
0x1e2: {  	[tilespmem:s16+$0x6400] =	vst @!p0 v2  }
0x1e3: {  	s18 =	sadd.s32 @!p0 $0x190E, s13;
	v2 =	vld.idx.msk @!p0 [tilespmem:v3+s17+$0x0], $0xffff  }
0x1e4: {  	v3 =	vadd.s32 @!p0 s18, v58;
	_ =	sdelay $0x3  }
0x1e5: {  	[tilespmem:s16+$0x6410] =	vst @!p0 v2  }
0x1e6: {  	s18 =	sadd.s32 @!p0 $0x258E, s13;
	v2 =	vld.idx.msk @!p0 [tilespmem:v3+s17+$0x0], $0xffff  }
0x1e7: {  	v3 =	vadd.s32 @!p0 s18, v58;
	_ =	sdelay $0x3  }
0x1e8: {  	[tilespmem:s16+$0x6420] =	vst @!p0 v2  }
0x1e9: {  	s18 =	sadd.s32 @!p0 $0x320E, s13;
	v2 =	vld.idx.msk @!p0 [tilespmem:v3+s17+$0x0], $0xffff  }
0x1ea: {  	v3 =	vadd.s32 @!p0 s18, v58;
	_ =	sdelay $0x3  }
0x1eb: {  	[tilespmem:s16+$0x6430] =	vst @!p0 v2  }
0x1ec: {  	s18 =	sadd.s32 @!p0 $0x3E8E, s13;
	v2 =	vld.idx.msk @!p0 [tilespmem:v3+s17+$0x0], $0xffff  }
0x1ed: {  	v3 =	vadd.s32 @!p0 s18, v58;
	_ =	sdelay $0x3  }
0x1ee: {  	[tilespmem:s16+$0x6440] =	vst @!p0 v2  }
0x1ef: {  	s18 =	sadd.s32 @!p0 $0x4B0E, s13;
	v2 =	vld.idx.msk @!p0 [tilespmem:v3+s17+$0x0], $0xffff  }
0x1f0: {  	v3 =	vadd.s32 @!p0 s18, v58;
	_ =	sdelay $0x3  }
0x1f1: {  	[tilespmem:s16+$0x6450] =	vst @!p0 v2  }
0x1f2: {  	s18 =	sadd.s32 @!p0 $0x578E, s13;
	v2 =	vld.idx.msk @!p0 [tilespmem:v3+s17+$0x0], $0xffff  }
0x1f3: {  	v3 =	vadd.s32 @!p0 s18, v58;
	_ =	sdelay $0x3  }
0x1f4: {  	[tilespmem:s16+$0x6460] =	vst @!p0 v2  }
0x1f5: {  	v2 =	vld.idx.msk @!p0 [tilespmem:v3+s17+$0x0], $0xffff;
	_ =	sdelay $0x4  }
0x1f6: {  	[tilespmem:s16+$0x6470] =	vst @!p0 v2  }
0x1f7: {  	_ =	swait.ge [sflag:s1], $0x800  }
0x1f8: {  	[sflag:s1] =	ssyncset.done $0x0  }
0x1f9: {  	s18 =	simm.s32 $0x0;
	[sflag:s1] =	ssyncadd.s32 $0xFFFFF800  }
0x1fa: {  	v59 =	vld [tilespmem:s18+$0xF830]  }
0x1fb: {  	v60 =	vld [tilespmem:s18+$0xF800]  }
0x1fc: {  	v63 =	vimm.f32 $0.0e+00;
	v61 =	vld [tilespmem:s18+$0xF810]  }
0x1fd: {  	s15 =	simm.s32 @p0 $0x19C00;
	v58 =	vimm.f32 $0.0e+00;
	v3 =	vimm.f32 $0.0e+00;
	s16 =	simm.s32 $0x100;
	v2 =	vimm.f32 $0.0e+00;
	v62 =	vld [tilespmem:s18+$0xF820]  }
.LBB2_17:
0x1fe: {  	p1 =	sne.s32 s16, $0x1F00  }
.Ltmp9:
0x1ff: {  	s17 =	sshra.s32 s16, $0x2;
	s16 =	sadd.s32 $0x100, s16;
	v58 =	vadd.f32 v59, v58;
	(pc) =	sbr.rel @p1 .LBB2_17-.Ltmp9, $4  }
0x200: {  	v59 =	vld [tilespmem:s17+$0xF830];
	v2 =	vadd.f32 v60, v2  }
0x201: {  	v60 =	vld [tilespmem:s17+$0xF800];
	v3 =	vadd.f32 v61, v3  }
0x202: {  	v61 =	vld [tilespmem:s17+$0xF810];
	v63 =	vadd.f32 v62, v63  }
0x203: {  	v62 =	vld [tilespmem:s17+$0xF820]  }
0x204: {  	_ =	sdelay $0x2  }
0x205: {  	v58 =	vadd.f32 v59, v58;
	v2 =	vadd.f32 v60, v2  }
0x206: {  	v3 =	vadd.f32 v61, v3;
	v59 =	vadd.f32 v62, v63  }
0x207: {  	v60 =	vlaneseq.u32 @!p0  }
0x208: {  	v2 =	vadd.f32 v3, v2;
	v3 =	vadd.f32 v58, v59;
	v58 =	vmul.u32 @!p0 $0xC8, v60  }
0x209: {  	s16 =	sadd.s32 @!p0 $0xF, s13  }
0x20a: {  	v2 =	vadd.f32 v3, v2;
	v3 =	vadd.s32 @!p0 s16, v58  }
0x20b: {  	s15 =	sshrl.u32 @!p0 s15, $0x2  }
0x20c: {  	s17 =	simm.s32 @!p0 $0x80;
	s18 =	simm.s32 @!p0 $0xF800;
	s15 =	sadd.s32 @!p0 $0x6400, s15;
	[tilespmem:s14+$0x10860] =	vst v2  }
0x20d: {  	[tilespmem:s18], [sflag:$0x7] =	stream.indirect.gather @!p0 [hbm4b:s3+s17], $0x10, s15, s17, $0xb8;
	[tilespmem:$0x11480] =	vst v63  }
0x20e: {  	s17 =	simm.s32 @!p0 $0x0  }
0x20f: {  	s15 =	sadd.s32 @!p0 $0xC8F, s13;
	v2 =	vld.idx.msk @!p0 [tilespmem:v3+s17+$0x0], $0xffff  }
0x210: {  	v3 =	vadd.s32 @!p0 s15, v58;
	_ =	sdelay $0x1  }
0x211: {  	s15 =	sshll.u32 @!p0 s16, $0x9  }
0x212: {  	s16 =	sshrl.u32 @!p0 s15, $0x2  }
0x213: {  	[tilespmem:s16+$0x6400] =	vst @!p0 v2  }
0x214: {  	s18 =	sadd.s32 @!p0 $0x190F, s13;
	v2 =	vld.idx.msk @!p0 [tilespmem:v3+s17+$0x0], $0xffff  }
0x215: {  	v3 =	vadd.s32 @!p0 s18, v58;
	_ =	sdelay $0x3  }
0x216: {  	[tilespmem:s16+$0x6410] =	vst @!p0 v2  }
0x217: {  	s18 =	sadd.s32 @!p0 $0x258F, s13;
	v2 =	vld.idx.msk @!p0 [tilespmem:v3+s17+$0x0], $0xffff  }
0x218: {  	v3 =	vadd.s32 @!p0 s18, v58;
	_ =	sdelay $0x3  }
0x219: {  	[tilespmem:s16+$0x6420] =	vst @!p0 v2  }
0x21a: {  	s18 =	sadd.s32 @!p0 $0x320F, s13;
	v2 =	vld.idx.msk @!p0 [tilespmem:v3+s17+$0x0], $0xffff  }
0x21b: {  	v3 =	vadd.s32 @!p0 s18, v58;
	_ =	sdelay $0x3  }
0x21c: {  	[tilespmem:s16+$0x6430] =	vst @!p0 v2  }
0x21d: {  	s18 =	sadd.s32 @!p0 $0x3E8F, s13;
	v2 =	vld.idx.msk @!p0 [tilespmem:v3+s17+$0x0], $0xffff  }
0x21e: {  	v3 =	vadd.s32 @!p0 s18, v58;
	_ =	sdelay $0x3  }
0x21f: {  	[tilespmem:s16+$0x6440] =	vst @!p0 v2  }
0x220: {  	s18 =	sadd.s32 @!p0 $0x4B0F, s13;
	v2 =	vld.idx.msk @!p0 [tilespmem:v3+s17+$0x0], $0xffff  }
0x221: {  	v3 =	vadd.s32 @!p0 s18, v58;
	_ =	sdelay $0x3  }
0x222: {  	[tilespmem:s16+$0x6450] =	vst @!p0 v2  }
0x223: {  	s13 =	sadd.s32 @!p0 $0x578F, s13;
	v2 =	vld.idx.msk @!p0 [tilespmem:v3+s17+$0x0], $0xffff  }
0x224: {  	v3 =	vadd.s32 @!p0 s13, v58;
	_ =	sdelay $0x3  }
0x225: {  	[tilespmem:s16+$0x6460] =	vst @!p0 v2  }
0x226: {  	v2 =	vld.idx.msk @!p0 [tilespmem:v3+s17+$0x0], $0xffff;
	_ =	sdelay $0x4  }
0x227: {  	[tilespmem:s16+$0x6470] =	vst @!p0 v2  }
0x228: {  	_ =	swait.ge [sflag:s0], $0x800  }
0x229: {  	[sflag:s0] =	ssyncset.done $0x0  }
0x22a: {  	s18 =	simm.s32 $0x0;
	[sflag:s0] =	ssyncadd.s32 $0xFFFFF800  }
0x22b: {  	v59 =	vld [tilespmem:s18+$0x10030]  }
0x22c: {  	v60 =	vld [tilespmem:s18+$0x10000]  }
0x22d: {  	v63 =	vimm.f32 $0.0e+00;
	v61 =	vld [tilespmem:s18+$0x10010]  }
0x22e: {  	s15 =	simm.s32 @p0 $0x19E00;
	v58 =	vimm.f32 $0.0e+00;
	s13 =	simm.s32 $0x100;
	v3 =	vimm.f32 $0.0e+00;
	v2 =	vimm.f32 $0.0e+00;
	v62 =	vld [tilespmem:s18+$0x10020]  }
.LBB2_19:
0x22f: {  	p1 =	sne.s32 s13, $0x1F00  }
.Ltmp10:
0x230: {  	s16 =	sshra.s32 s13, $0x2;
	s13 =	sadd.s32 $0x100, s13;
	v58 =	vadd.f32 v59, v58;
	(pc) =	sbr.rel @p1 .LBB2_19-.Ltmp10, $4  }
0x231: {  	v59 =	vld [tilespmem:s16+$0x10030];
	v2 =	vadd.f32 v60, v2  }
0x232: {  	v60 =	vld [tilespmem:s16+$0x10000];
	v3 =	vadd.f32 v61, v3  }
0x233: {  	v61 =	vld [tilespmem:s16+$0x10010];
	v63 =	vadd.f32 v62, v63  }
0x234: {  	v62 =	vld [tilespmem:s16+$0x10020]  }
0x235: {  	_ =	sdelay $0x2  }
0x236: {  	v58 =	vadd.f32 v59, v58;
	v2 =	vadd.f32 v60, v2  }
0x237: {  	v3 =	vadd.f32 v61, v3;
	v63 =	vadd.f32 v62, v63;
	_ =	sdelay $0x1  }
.Ltmp11:
0x238: {  	v2 =	vadd.f32 v3, v2;
	v3 =	vadd.f32 v58, v63;
	(pc) =	sbr.rel @p0 .LBB2_22-.Ltmp11, $3  }
0x239: {  	_ = 	snop  }
0x23a: {  	v2 =	vadd.f32 v3, v2;
	_ =	sdelay $0x1  }
0x23b: {  	[tilespmem:s14+$0x10870] =	vst v2  }
.Ltmp12:
0x23c: {  	(pc) =	sbr.rel .LBB2_4-.Ltmp12, $4  }
0x23d: {  	_ = 	snop  }
0x23e: {  	s13 =	sshrl.u32 s15, $0x2  }
0x23f: {  	s12 =	sadd.s32 $0x1, s12;
	s13 =	sadd.s32 $0x6400, s13  }
0x240: {  	[tilespmem:s24], [sflag:$0x8] =	stream.indirect.gather [hbm4b:s3+s8], $0x10, s13, s8, $0xb8;
	[tilespmem:$0x11480] =	vst v63  }
.LBB2_23:
0x241: {  	_ =	sfence.sel $0x180000  }
0x242: {  	[bflag:$0x0] =	sbarrier.arrive $0xFFFF  }
0x243: {  	_ =	strace $0x90000047  }
0x244: {  	s0 =	stileid.u32;
	[bflag:$0x2] =	sbarrier.arrive $0xFFFF  }
0x245: {  	p0 =	sne.s32 s0, $0x0;
	s0 =	rddreg [dreg:$0x1]  }
0x246: {  	s0 =	sadd.s32 @!p0 $0x100000, s0  }
0x247: {  	[sflag:s0] =	ssyncadd.tile.s32 @!p0 $0x1;
	_ =	shalt  }
.Lfunc_end2:
_tile_overlayer_lowered:
.L_overlay_start_2:
0x248: {  	(tag) =	ssettag $0x2  }
0x249: {  	s0 =	rddreg [dreg:$0x0];
	s2 =	stileid.u32  }
0x24a: {  	s1 =	rddreg [dreg:$0x1];
	p0 =	sne.s32 s2, $0x0  }
0x24b: {  	s3 =	rddreg [dreg:$0x2];
	[bflag:$0x3] =	sbarrier.arrive $0xFFFF;
	s2 =	simm.s32 @!p0 $0x1C09  }
0x24c: {  	[timem:s3], [sflag:s2] =	dma.local @!p0 [hbm:s0], s1  }
0x24d: {  	s0 =	simm.s32 @!p0 $0x9  }
0x24e: {  	_ =	swait.ge @!p0 [sflag:s0], s1  }
0x24f: {  	s1 =	ssub.s32 @!p0 $0x0, s1;
	[sflag:s0] =	ssyncset.done @!p0 $0x0  }
0x250: {  	[sflag:s0] =	ssyncadd.s32 @!p0 s1  }
0x251: {  	[bflag:$0x3] =	sbarrier.arrive $0xFFFF  }
0x252: {  	_ =	shalt  }

</sc_bundles>
